<compile_context>
chip_gen: v7x
topology: tpu7x:2x2x1
jax: 0.10.2.dev20260603
libtpu: 0.0.44.dev20260713+nightly
codegen_flags: <defaults>
</compile_context>

<pallas_src>
import functools

import jax
import jax.numpy as jnp
from jax import lax
from jax.experimental import pallas as pl
from jax.experimental.pallas import tpu as pltpu
from jax.experimental.pallas import tpu_sc as plsc

B = 16384
F = 26
D = 16
NUM_BLOCKS = 5
NC = 2
NS = 16
NW = NC * NS
RPW = B // NW
CR = 128
CE = F * CR
NCHUNK = RPW // CR
G = CR // 16
IB = CE // 128

_THRESH = (100000, 300000, 500000, 700000)


V = 1000000
CW = 1536
NFULL = V // CW
TAIL = 64
NCH_HI = -(-NFULL // NW)
NCH_EXTRA = NFULL - (NCH_HI - 1) * NW


def _relayout_body(embt_hbm, tail_hbm, out_hbm, stg_a, stg_b, outb,
                   sem_a, sem_b):
    wid = lax.axis_index("s") * NC + lax.axis_index("c")
    lane = lax.iota(jnp.int32, 16)
    nch = jnp.where(wid < NCH_EXTRA, NCH_HI, NCH_HI - 1)

    def c0_of(t):
        return pl.multiple_of((wid + t * NW) * CW, 128)

    def fire_in(t, stg, sem):
        pltpu.make_async_copy(
            embt_hbm.at[:, pl.ds(c0_of(t), CW)],
            stg.at[:, pl.ds(0, CW)], sem).start()

    def wait_in(stg, sem):
        pltpu.make_async_copy(
            embt_hbm.at[:, pl.ds(0, CW)],
            stg.at[:, pl.ds(0, CW)], sem).wait()

    def do_chunk(t, stg):
        def col(i, _):
            base = i * 8
            for u in range(8):
                v = plsc.load_gather(
                    stg, [lane, jnp.full((16,), u, jnp.int32) + base])
                outb[pl.ds((base + u) * 16, 16)] = v
            return 0
        lax.fori_loop(0, CW // 8, col, 0)
        pltpu.sync_copy(outb, out_hbm.at[pl.ds(c0_of(t) * 16, CW * 16)])

    fire_in(0, stg_a, sem_a)

    def body2(t2, _):
        ta = 2 * t2
        tb = ta + 1

        @pl.when(ta < nch)
        def _():
            @pl.when(tb < nch)
            def _():
                fire_in(tb, stg_b, sem_b)
            wait_in(stg_a, sem_a)
            do_chunk(ta, stg_a)

            @pl.when(tb < nch)
            def _():
                @pl.when(tb + 1 < nch)
                def _():
                    fire_in(tb + 1, stg_a, sem_a)
                wait_in(stg_b, sem_b)
                do_chunk(tb, stg_b)
        return 0
    lax.fori_loop(0, (NCH_HI + 1) // 2, body2, 0)

    @pl.when(wid == 0)
    def _():
        pltpu.sync_copy(tail_hbm, out_hbm.at[pl.ds((V - TAIL) * 16, TAIL * 16)])


@jax.jit
def _relayout_sc(embt, tail_lin):
    mesh = plsc.VectorSubcoreMesh(core_axis_name="c", subcore_axis_name="s")
    return pl.kernel(
        _relayout_body,
        out_type=jax.ShapeDtypeStruct((V * D,), jnp.float32),
        mesh=mesh,
        compiler_params=pltpu.CompilerParams(
            use_tc_tiling_on_sc=True, needs_layout_passes=False),
        scratch_types=[
            pltpu.VMEM((16, CW + 1), jnp.float32),
            pltpu.VMEM((16, CW + 1), jnp.float32),
            pltpu.VMEM((CW * 16,), jnp.float32),
            pltpu.SemaphoreType.DMA,
            pltpu.SemaphoreType.DMA,
        ],
    )(embt, tail_lin)


def _fm_body(ids_hbm, vals_hbm, emb_hbm, fm_hbm, mask_hbm, bias_hbm,
             out_hbm, ids_v, vals_v, emb_v, fmv_v, mids_v, prods_v,
             mask_v, bias_v, out_v, sem_e, sem_f):
    wid = lax.axis_index("s") * NC + lax.axis_index("c")
    base_elem = wid * (RPW * F)

    pltpu.sync_copy(mask_hbm, mask_v)
    pltpu.sync_copy(bias_hbm, bias_v)
    bias_vec = bias_v[...]
    zeros = jnp.zeros((16,), jnp.float32)
    lane = lax.iota(jnp.int32, 16)
    rot8 = (lane + 8) % 16
    rot4 = (lane + 4) % 16
    rot2 = (lane + 2) % 16
    rot1 = (lane + 1) % 16

    def _rotsum(v):
        for r in (rot8, rot4, rot2, rot1):
            v = v + v.at[r].get(mode="promise_in_bounds")
        return v

    def chunk_body(c, _):
        e0 = pl.multiple_of(base_elem + c * CE, CE)
        pltpu.sync_copy(ids_hbm.at[pl.ds(e0, CE)], ids_v)
        pltpu.sync_copy(vals_hbm.at[pl.ds(e0, CE)], vals_v)

        for j in range(IB):
            pltpu.make_async_copy(
                emb_hbm.at[ids_v.at[pl.ds(j * 128, 128)]],
                emb_v.at[pl.ds(j * 128, 128)], sem_e).start()
            pltpu.make_async_copy(
                fm_hbm.at[ids_v.at[pl.ds(j * 128, 128)]],
                fmv_v.at[pl.ds(j * 128, 128)], sem_f).start()
        for j in range(IB):
            pltpu.make_async_copy(
                emb_hbm.at[ids_v.at[pl.ds(0, 128)]],
                emb_v.at[pl.ds(0, 128)], sem_e).wait()
            pltpu.make_async_copy(
                fm_hbm.at[ids_v.at[pl.ds(0, 128)]],
                fmv_v.at[pl.ds(0, 128)], sem_f).wait()

        def pre_body(k, _):
            sl = pl.ds(k * 16, 16)
            id_vec = ids_v[sl]
            mid = ((id_vec >= _THRESH[0]).astype(jnp.int32)
                   + (id_vec >= _THRESH[1]).astype(jnp.int32)
                   + (id_vec >= _THRESH[2]).astype(jnp.int32)
                   + (id_vec >= _THRESH[3]).astype(jnp.int32))
            mids_v[sl] = mid
            prods_v[sl] = vals_v[sl] * fmv_v[sl]
            return 0
        lax.fori_loop(0, CE // 16, pre_body, 0)

        def group_body(g, _):
            gbase = g * (16 * F)
            lin = bias_vec
            for f in range(F):
                lin = lin + plsc.load_gather(prods_v, [gbase + f + lane * F])

            def row_body(r, x_acc):
                ebase = gbase + r * F
                vrow0 = vals_v[pl.ds(ebase, 16)]
                vrow1 = vals_v[pl.ds(ebase + F - 16, 16)]
                mrow0 = mids_v[pl.ds(ebase, 16)]
                mrow1 = mids_v[pl.ds(ebase + F - 16, 16)]
                acc = zeros
                accsq = zeros
                for f in range(F):
                    if f < 16:
                        va = vrow0[f]
                        mi = mrow0[f]
                    else:
                        va = vrow1[f - (F - 16)]
                        mi = mrow1[f - (F - 16)]
                    row = emb_v[ebase + f, :]
                    mrow = mask_v[mi, :]
                    tv = row * mrow * va
                    acc = acc + tv
                    accsq = accsq + tv * tv
                w = acc * acc - accsq
                x = _rotsum(w)
                return jnp.where(lane == r, x, x_acc)

            x_vec = lax.fori_loop(0, 16, row_body, zeros)
            x = lin + 0.5 * x_vec
            out_v[pl.ds(c * CR + g * 16, 16)] = 1.0 / (1.0 + jnp.exp(-x))
            return 0
        lax.fori_loop(0, G, group_body, 0)
        return 0

    lax.fori_loop(0, NCHUNK, chunk_body, 0)
    pltpu.sync_copy(out_v, out_hbm.at[pl.ds(wid * RPW, RPW)])


@jax.jit
def _fm_sc(ids_flat, vals_flat, emb_table, fm_flat, mask_table, bias_vec):
    mesh = plsc.VectorSubcoreMesh(core_axis_name="c", subcore_axis_name="s")
    return pl.kernel(
        _fm_body,
        out_type=jax.ShapeDtypeStruct((B,), jnp.float32),
        mesh=mesh,
        compiler_params=pltpu.CompilerParams(
            use_tc_tiling_on_sc=False, needs_layout_passes=False),
        scratch_types=[
            pltpu.VMEM((CE,), jnp.int32),
            pltpu.VMEM((CE,), jnp.float32),
            pltpu.VMEM((CE, D), jnp.float32),
            pltpu.VMEM((CE,), jnp.float32),
            pltpu.VMEM((CE,), jnp.int32),
            pltpu.VMEM((CE,), jnp.float32),
            pltpu.VMEM((NUM_BLOCKS, 16), jnp.float32),
            pltpu.VMEM((16,), jnp.float32),
            pltpu.VMEM((RPW,), jnp.float32),
            pltpu.SemaphoreType.DMA,
            pltpu.SemaphoreType.DMA,
        ],
    )(ids_flat, vals_flat, emb_table, fm_flat, mask_table, bias_vec)


def kernel(feature_ids, feature_vals, emb_table, alpha, fm_w, fm_bias):
    tail_lin = lax.optimization_barrier(
        emb_table[V - TAIL:, :].reshape(-1))
    emb_lin = _relayout_sc(emb_table.T, tail_lin).reshape(emb_table.shape)
    ids_flat = lax.optimization_barrier(
        feature_ids.reshape(-1).astype(jnp.int32))
    vals_flat = lax.optimization_barrier(feature_vals.reshape(-1))
    fm_flat = lax.optimization_barrier(fm_w.reshape(-1))
    s = jnp.arange(NUM_BLOCKS, dtype=jnp.float32)
    abw = jnp.clip(alpha[None, :] - s[:, None], 0.0, 1.0)
    mask = jnp.repeat(abw, D // abw.shape[1], axis=1)
    msum = mask.sum(axis=1, keepdims=True)
    mask_n = mask / (msum + 1e-6) * 4.0
    bias_vec = jnp.full((16,), fm_bias, dtype=jnp.float32)
    return _fm_sc(ids_flat, vals_flat, emb_lin, fm_flat, mask_n, bias_vec)

# --- scband reference (transcript-rebuilt; emitter-appended) ---
"""Pipeline reference for scband-dnis-3831110828063 (READ-ONLY COPY).

The authoritative reference and input builder live on the scoring server;
editing this copy changes nothing except your own understanding.
"""

import jax, jax.numpy as jnp
import numpy as np

NUM_FEATURES = 1000000
EMBED_DIM = 16
NUM_FIELDS = 26
BATCH = 16384
FEATURE_SPLIT = [0.1, 0.2, 0.2, 0.2, 0.3]
NUM_DIM_SPLIT = 4
NUM_FEATURE_SPLIT = len(FEATURE_SPLIT)


def _feature_positions():
    nums = (np.array(FEATURE_SPLIT) * NUM_FEATURES).astype(np.int64)
    nums[-1] += NUM_FEATURES - nums.sum()
    return np.cumsum(nums)


def _embed_dims():
    dims = np.full(NUM_DIM_SPLIT, EMBED_DIM // NUM_DIM_SPLIT, dtype=np.int64)
    dims[-1] += EMBED_DIM - dims.sum()
    return dims


def setup_inputs(seed: int = 0) -> dict:
    key = jax.random.key(seed)
    k1, k2, k3, k4 = jax.random.split(key, 4)
    feature_ids = jax.random.randint(k1, (BATCH, NUM_FIELDS), 0, NUM_FEATURES)
    feature_vals = jax.random.uniform(k2, (BATCH, NUM_FIELDS), dtype=jnp.float32)
    xavier_std = float(np.sqrt(2.0 / (NUM_FEATURES + EMBED_DIM)))
    emb_table = jax.random.normal(k3, (NUM_FEATURES, EMBED_DIM), dtype=jnp.float32) * xavier_std
    alpha = jnp.full((NUM_DIM_SPLIT,), float(NUM_FEATURE_SPLIT), dtype=jnp.float32)
    fm_w = jax.random.normal(k4, (NUM_FEATURES, 1), dtype=jnp.float32) * 0.01
    fm_bias = jnp.zeros((), dtype=jnp.float32)
    return {"feature_ids": feature_ids, "feature_vals": feature_vals, "emb_table": emb_table, "alpha": alpha, "fm_w": fm_w, "fm_bias": fm_bias}


def reference(feature_ids, feature_vals, emb_table, alpha, fm_w, fm_bias):
    positions = jnp.asarray(_feature_positions())
    embed_dims = _embed_dims()
    # search_space == 'feature_block'
    alpha_block_weight = jnp.clip(
        jnp.broadcast_to(alpha, (NUM_FEATURE_SPLIT, NUM_DIM_SPLIT))
        - jnp.arange(NUM_FEATURE_SPLIT, dtype=jnp.float32)[:, None],
        0.0, 1.0,
    )
    # embedding lookup (gather)
    input_embeddings = jnp.take(emb_table, feature_ids, axis=0)  # [B, F, D]
    # which feature-block each id belongs to
    mask_id = jnp.sum((feature_ids[:, None, :] - positions[None, :, None]) >= 0, axis=1)  # [B, F]
    alpha_block_mask = jnp.repeat(alpha_block_weight, embed_dims, axis=1)  # [S, D]
    input_embedding_masks = alpha_block_mask[mask_id]  # [B, F, D]
    # normalize=True branch
    mask_sum = input_embedding_masks.sum(axis=2, keepdims=True)
    input_embedding_masks = input_embedding_masks / (mask_sum + 1e-06)
    input_embeddings = input_embeddings * NUM_DIM_SPLIT
    input_embeddings = input_embeddings * input_embedding_masks
    input_embeddings = input_embeddings * feature_vals[:, :, None]
    # FM head (standard factorization machine)
    linear = jnp.sum(jnp.take(fm_w, feature_ids, axis=0)[..., 0] * feature_vals, axis=1) + fm_bias  # [B]
    sum_emb = input_embeddings.sum(axis=1)  # [B, D]
    second = 0.5 * jnp.sum(sum_emb ** 2 - jnp.sum(input_embeddings ** 2, axis=1), axis=1)  # [B]
    return jax.nn.sigmoid(linear + second)

if __name__ == "__main__":
    import jax
    _d = setup_inputs()
    print(jax.jit(kernel)(*tuple(_d.values())))

</pallas_src>

<mosaic_0001>
#map = affine_map<(d0, d1) -> (0, 0)>
#map1 = affine_map<(d0, d1) -> (0)>
module attributes {stable_mosaic.version = 14 : i64} {
  func.func @_relayout_body(%arg0: i32, %arg1: i32, %arg2: memref<16x1000000xf32, #tpu.memory_space<hbm>>, %arg3: memref<1024xf32, #tpu.memory_space<hbm>>, %arg4: memref<16000000xf32, #tpu.memory_space<hbm>>, %arg5: memref<16x1537xf32, #tpu.memory_space<vmem>>, %arg6: memref<16x1537xf32, #tpu.memory_space<vmem>>, %arg7: memref<24576xf32, #tpu.memory_space<vmem>>, %arg8: memref<!tpu.dma_semaphore, #tpu.memory_space<semaphore_mem>>, %arg9: memref<!tpu.dma_semaphore, #tpu.memory_space<semaphore_mem>>) attributes {dimension_semantics = [#tpu.dimension_semantics<core_parallel>, #tpu.dimension_semantics<subcore_parallel>], iteration_bounds = array<i64: 2, 16>, scalar_prefetch = 0 : i64, scratch_operands = 5 : i64, tpu.core_type = #tpu.core_type<sc_vector_subcore>, window_params = [{transform_indices = #map}, {transform_indices = #map1}, {transform_indices = #map1}]} {
    %mul3A = arith.constant 2 : i32
    %mul3A_0 = arith.muli %arg1, %mul3A : i32
    %add3A = arith.addi %mul3A_0, %arg0 : i32
    %iota3A = tpu.iota {dimensions = array<i32: 0>} : vector<16xi32>
    %lt3A = arith.constant 11 : i32
    %lt3A_1 = arith.cmpi slt, %add3A, %lt3A : i32
    %jit3A = arith.constant 21 : i32
    %jit3A_2 = arith.constant 20 : i32
    %select_n3A = arith.select %lt3A_1, %jit3A, %jit3A_2 : i32
    %add3A_3 = arith.constant 0 : i32
    %add3A_4 = arith.addi %add3A, %add3A_3 : i32
    %mul3A_5 = arith.constant 1536 : i32
    %mul3A_6 = arith.muli %add3A_4, %mul3A_5 : i32
    %multiple_of3A = tpu.assume_multiple %mul3A_6, 128 : i32
    %dma_start3A = arith.constant 0 : i32
    %dma_start3A_7 = arith.constant 0 : i32
    %dma_start3A_8 = tpu.memref_slice %arg5[%dma_start3A, %dma_start3A_7] : memref<16x1537xf32, #tpu.memory_space<vmem>> -> memref<16x1536xf32, #tpu.memory_space<vmem>>
    %dma_start3A_9 = arith.constant 0 : i32
    %dma_start3A_10 = tpu.memref_slice %arg2[%dma_start3A_9, %multiple_of3A] : memref<16x1000000xf32, #tpu.memory_space<hbm>> -> memref<16x1536xf32, #tpu.memory_space<hbm>>
    %dma_start3A_11 = arith.constant 0 : i32
    %dma_start3A_12 = arith.constant 0 : i32
    %dma_start3A_13 = tpu.memref_slice %arg5[%dma_start3A_11, %dma_start3A_12] : memref<16x1537xf32, #tpu.memory_space<vmem>> -> memref<16x1536xf32, #tpu.memory_space<vmem>>
    %dma_start3A_14 = arith.constant 0 : i32
    %dma_start3A_15 = tpu.memref_slice %arg2[%dma_start3A_14, %multiple_of3A] : memref<16x1000000xf32, #tpu.memory_space<hbm>> -> memref<16x1536xf32, #tpu.memory_space<hbm>>
    tpu.enqueue_dma source(%dma_start3A_15 : memref<16x1536xf32, #tpu.memory_space<hbm>>) target(%dma_start3A_13 : memref<16x1536xf32, #tpu.memory_space<vmem>>) target_semaphore(%arg8 : memref<!tpu.dma_semaphore, #tpu.memory_space<semaphore_mem>>)
    %scan3A = arith.constant 0 : i32
    %scan3A_16 = arith.constant 0 : i32
    %scan3A_17 = arith.constant 11 : i32
    %scan3A_18 = arith.addi %scan3A_16, %scan3A_17 : i32
    %scan3A_19 = arith.constant 1 : i32
    %scan3A_20 = scf.for %scan3A_24 = %scan3A_16 to %scan3A_18 step %scan3A_19 iter_args(%scan3A_25 = %scan3A) -> (i32)  : i32 {
      %mul3A_26 = arith.constant 2 : i32
      %mul3A_27 = arith.muli %mul3A_26, %scan3A_24 : i32
      %add3A_28 = arith.constant 1 : i32
      %add3A_29 = arith.addi %mul3A_27, %add3A_28 : i32
      %lt3A_30 = arith.cmpi slt, %mul3A_27, %select_n3A : i32
      %convert_element_type3A_31 = arith.extui %lt3A_30 : i1 to i32
      %cond3A_32 = arith.constant 0 : i32
      %cond3A_33 = arith.cmpi ne, %convert_element_type3A_31, %cond3A_32 : i32
      scf.if %cond3A_33 {
        %lt3A_35 = arith.cmpi slt, %add3A_29, %select_n3A : i32
        %convert_element_type3A_36 = arith.extui %lt3A_35 : i1 to i32
        %cond3A_37 = arith.constant 0 : i32
        %cond3A_38 = arith.cmpi ne, %convert_element_type3A_36, %cond3A_37 : i32
        scf.if %cond3A_38 {
          %mul3A_69 = arith.constant 32 : i32
          %mul3A_70 = arith.muli %add3A_29, %mul3A_69 : i32
          %add3A_71 = arith.addi %add3A, %mul3A_70 : i32
          %mul3A_72 = arith.constant 1536 : i32
          %mul3A_73 = arith.muli %add3A_71, %mul3A_72 : i32
          %multiple_of3A_74 = tpu.assume_multiple %mul3A_73, 128 : i32
          %dma_start3A_75 = arith.constant 0 : i32
          %dma_start3A_76 = arith.constant 0 : i32
          %dma_start3A_77 = tpu.memref_slice %arg6[%dma_start3A_75, %dma_start3A_76] : memref<16x1537xf32, #tpu.memory_space<vmem>> -> memref<16x1536xf32, #tpu.memory_space<vmem>>
          %dma_start3A_78 = arith.constant 0 : i32
          %dma_start3A_79 = tpu.memref_slice %arg2[%dma_start3A_78, %multiple_of3A_74] : memref<16x1000000xf32, #tpu.memory_space<hbm>> -> memref<16x1536xf32, #tpu.memory_space<hbm>>
          %dma_start3A_80 = arith.constant 0 : i32
          %dma_start3A_81 = arith.constant 0 : i32
          %dma_start3A_82 = tpu.memref_slice %arg6[%dma_start3A_80, %dma_start3A_81] : memref<16x1537xf32, #tpu.memory_space<vmem>> -> memref<16x1536xf32, #tpu.memory_space<vmem>>
          %dma_start3A_83 = arith.constant 0 : i32
          %dma_start3A_84 = tpu.memref_slice %arg2[%dma_start3A_83, %multiple_of3A_74] : memref<16x1000000xf32, #tpu.memory_space<hbm>> -> memref<16x1536xf32, #tpu.memory_space<hbm>>
          tpu.enqueue_dma source(%dma_start3A_84 : memref<16x1536xf32, #tpu.memory_space<hbm>>) target(%dma_start3A_82 : memref<16x1536xf32, #tpu.memory_space<vmem>>) target_semaphore(%arg9 : memref<!tpu.dma_semaphore, #tpu.memory_space<semaphore_mem>>)
        } else {
        }
        %dma_wait3A = arith.constant 0 : i32
        %dma_wait3A_39 = arith.constant 0 : i32
        %dma_wait3A_40 = tpu.memref_slice %arg5[%dma_wait3A, %dma_wait3A_39] : memref<16x1537xf32, #tpu.memory_space<vmem>> -> memref<16x1536xf32, #tpu.memory_space<vmem>>
        %dma_wait3A_41 = arith.constant 0 : i32
        %dma_wait3A_42 = arith.constant 0 : i32
        %dma_wait3A_43 = tpu.memref_slice %arg2[%dma_wait3A_41, %dma_wait3A_42] : memref<16x1000000xf32, #tpu.memory_space<hbm>> -> memref<16x1536xf32, #tpu.memory_space<hbm>>
        %dma_wait3A_44 = arith.constant 0 : i32
        %dma_wait3A_45 = arith.constant 0 : i32
        %dma_wait3A_46 = tpu.memref_slice %arg5[%dma_wait3A_44, %dma_wait3A_45] : memref<16x1537xf32, #tpu.memory_space<vmem>> -> memref<16x1536xf32, #tpu.memory_space<vmem>>
        %dma_wait3A_47 = arith.constant 0 : i32
        %dma_wait3A_48 = arith.constant 0 : i32
        %dma_wait3A_49 = tpu.memref_slice %arg2[%dma_wait3A_47, %dma_wait3A_48] : memref<16x1000000xf32, #tpu.memory_space<hbm>> -> memref<16x1536xf32, #tpu.memory_space<hbm>>
        tpu.wait_dma2 semaphore(%arg8 : memref<!tpu.dma_semaphore, #tpu.memory_space<semaphore_mem>>) src(%dma_wait3A_49 : memref<16x1536xf32, #tpu.memory_space<hbm>>) dst(%dma_wait3A_46 : memref<16x1536xf32, #tpu.memory_space<vmem>>)
        %scan3A_50 = arith.constant 0 : i32
        %scan3A_51 = arith.constant 0 : i32
        %scan3A_52 = arith.constant 192 : i32
        %scan3A_53 = arith.addi %scan3A_51, %scan3A_52 : i32
        %scan3A_54 = arith.constant 1 : i32
        %scan3A_55 = scf.for %scan3A_69 = %scan3A_51 to %scan3A_53 step %scan3A_54 iter_args(%scan3A_70 = %scan3A_50) -> (i32)  : i32 {
          %mul3A_71 = arith.constant 8 : i32
          %mul3A_72 = arith.muli %scan3A_69, %mul3A_71 : i32
          %broadcast_in_dim3A = arith.constant 0 : i32
          %broadcast_in_dim3A_73 = vector.broadcast %broadcast_in_dim3A : i32 to vector<16xi32>
          %add3A_74 = vector.broadcast %mul3A_72 : i32 to vector<16xi32>
          %add3A_75 = arith.addi %broadcast_in_dim3A_73, %add3A_74 : vector<16xi32>
          %gather3A = tpu.vector_load_idx %arg5[%iota3A, %add3A_75] : memref<16x1537xf32, #tpu.memory_space<vmem>>[vector<16xi32>, vector<16xi32>], vector<16xf32>,
          %add3A_76 = arith.constant 0 : i32
          %add3A_77 = arith.addi %mul3A_72, %add3A_76 : i32
          %mul3A_78 = arith.constant 16 : i32
          %mul3A_79 = arith.muli %add3A_77, %mul3A_78 : i32
          %swap3A = arith.index_cast %mul3A_79 : i32 to index
          %swap3A_80 = tpu.vector_load %arg7[%swap3A] {strides = array<i32>} : memref<24576xf32, #tpu.memory_space<vmem>>, vector<16xf32>,
          tpu.vector_store %arg7[%swap3A], %gather3A {strides = array<i32>} : memref<24576xf32, #tpu.memory_space<vmem>>, vector<16xf32>,
          %broadcast_in_dim3A_81 = arith.constant 1 : i32
          %broadcast_in_dim3A_82 = vector.broadcast %broadcast_in_dim3A_81 : i32 to vector<16xi32>
          %add3A_83 = vector.broadcast %mul3A_72 : i32 to vector<16xi32>
          %add3A_84 = arith.addi %broadcast_in_dim3A_82, %add3A_83 : vector<16xi32>
          %gather3A_85 = tpu.vector_load_idx %arg5[%iota3A, %add3A_84] : memref<16x1537xf32, #tpu.memory_space<vmem>>[vector<16xi32>, vector<16xi32>], vector<16xf32>,
          %add3A_86 = arith.constant 1 : i32
          %add3A_87 = arith.addi %mul3A_72, %add3A_86 : i32
          %mul3A_88 = arith.constant 16 : i32
          %mul3A_89 = arith.muli %add3A_87, %mul3A_88 : i32
          %swap3A_90 = arith.index_cast %mul3A_89 : i32 to index
          %swap3A_91 = tpu.vector_load %arg7[%swap3A_90] {strides = array<i32>} : memref<24576xf32, #tpu.memory_space<vmem>>, vector<16xf32>,
          tpu.vector_store %arg7[%swap3A_90], %gather3A_85 {strides = array<i32>} : memref<24576xf32, #tpu.memory_space<vmem>>, vector<16xf32>,
          %broadcast_in_dim3A_92 = arith.constant 2 : i32
          %broadcast_in_dim3A_93 = vector.broadcast %broadcast_in_dim3A_92 : i32 to vector<16xi32>
          %add3A_94 = vector.broadcast %mul3A_72 : i32 to vector<16xi32>
          %add3A_95 = arith.addi %broadcast_in_dim3A_93, %add3A_94 : vector<16xi32>
          %gather3A_96 = tpu.vector_load_idx %arg5[%iota3A, %add3A_95] : memref<16x1537xf32, #tpu.memory_space<vmem>>[vector<16xi32>, vector<16xi32>], vector<16xf32>,
          %add3A_97 = arith.constant 2 : i32
          %add3A_98 = arith.addi %mul3A_72, %add3A_97 : i32
          %mul3A_99 = arith.constant 16 : i32
          %mul3A_100 = arith.muli %add3A_98, %mul3A_99 : i32
          %swap3A_101 = arith.index_cast %mul3A_100 : i32 to index
          %swap3A_102 = tpu.vector_load %arg7[%swap3A_101] {strides = array<i32>} : memref<24576xf32, #tpu.memory_space<vmem>>, vector<16xf32>,
          tpu.vector_store %arg7[%swap3A_101], %gather3A_96 {strides = array<i32>} : memref<24576xf32, #tpu.memory_space<vmem>>, vector<16xf32>,
          %broadcast_in_dim3A_103 = arith.constant 3 : i32
          %broadcast_in_dim3A_104 = vector.broadcast %broadcast_in_dim3A_103 : i32 to vector<16xi32>
          %add3A_105 = vector.broadcast %mul3A_72 : i32 to vector<16xi32>
          %add3A_106 = arith.addi %broadcast_in_dim3A_104, %add3A_105 : vector<16xi32>
          %gather3A_107 = tpu.vector_load_idx %arg5[%iota3A, %add3A_106] : memref<16x1537xf32, #tpu.memory_space<vmem>>[vector<16xi32>, vector<16xi32>], vector<16xf32>,
          %add3A_108 = arith.constant 3 : i32
          %add3A_109 = arith.addi %mul3A_72, %add3A_108 : i32
          %mul3A_110 = arith.constant 16 : i32
          %mul3A_111 = arith.muli %add3A_109, %mul3A_110 : i32
          %swap3A_112 = arith.index_cast %mul3A_111 : i32 to index
          %swap3A_113 = tpu.vector_load %arg7[%swap3A_112] {strides = array<i32>} : memref<24576xf32, #tpu.memory_space<vmem>>, vector<16xf32>,
          tpu.vector_store %arg7[%swap3A_112], %gather3A_107 {strides = array<i32>} : memref<24576xf32, #tpu.memory_space<vmem>>, vector<16xf32>,
          %broadcast_in_dim3A_114 = arith.constant 4 : i32
          %broadcast_in_dim3A_115 = vector.broadcast %broadcast_in_dim3A_114 : i32 to vector<16xi32>
          %add3A_116 = vector.broadcast %mul3A_72 : i32 to vector<16xi32>
          %add3A_117 = arith.addi %broadcast_in_dim3A_115, %add3A_116 : vector<16xi32>
          %gather3A_118 = tpu.vector_load_idx %arg5[%iota3A, %add3A_117] : memref<16x1537xf32, #tpu.memory_space<vmem>>[vector<16xi32>, vector<16xi32>], vector<16xf32>,
          %add3A_119 = arith.constant 4 : i32
          %add3A_120 = arith.addi %mul3A_72, %add3A_119 : i32
          %mul3A_121 = arith.constant 16 : i32
          %mul3A_122 = arith.muli %add3A_120, %mul3A_121 : i32
          %swap3A_123 = arith.index_cast %mul3A_122 : i32 to index
          %swap3A_124 = tpu.vector_load %arg7[%swap3A_123] {strides = array<i32>} : memref<24576xf32, #tpu.memory_space<vmem>>, vector<16xf32>,
          tpu.vector_store %arg7[%swap3A_123], %gather3A_118 {strides = array<i32>} : memref<24576xf32, #tpu.memory_space<vmem>>, vector<16xf32>,
          %broadcast_in_dim3A_125 = arith.constant 5 : i32
          %broadcast_in_dim3A_126 = vector.broadcast %broadcast_in_dim3A_125 : i32 to vector<16xi32>
          %add3A_127 = vector.broadcast %mul3A_72 : i32 to vector<16xi32>
          %add3A_128 = arith.addi %broadcast_in_dim3A_126, %add3A_127 : vector<16xi32>
          %gather3A_129 = tpu.vector_load_idx %arg5[%iota3A, %add3A_128] : memref<16x1537xf32, #tpu.memory_space<vmem>>[vector<16xi32>, vector<16xi32>], vector<16xf32>,
          %add3A_130 = arith.constant 5 : i32
          %add3A_131 = arith.addi %mul3A_72, %add3A_130 : i32
          %mul3A_132 = arith.constant 16 : i32
          %mul3A_133 = arith.muli %add3A_131, %mul3A_132 : i32
          %swap3A_134 = arith.index_cast %mul3A_133 : i32 to index
          %swap3A_135 = tpu.vector_load %arg7[%swap3A_134] {strides = array<i32>} : memref<24576xf32, #tpu.memory_space<vmem>>, vector<16xf32>,
          tpu.vector_store %arg7[%swap3A_134], %gather3A_129 {strides = array<i32>} : memref<24576xf32, #tpu.memory_space<vmem>>, vector<16xf32>,
          %broadcast_in_dim3A_136 = arith.constant 6 : i32
          %broadcast_in_dim3A_137 = vector.broadcast %broadcast_in_dim3A_136 : i32 to vector<16xi32>
          %add3A_138 = vector.broadcast %mul3A_72 : i32 to vector<16xi32>
          %add3A_139 = arith.addi %broadcast_in_dim3A_137, %add3A_138 : vector<16xi32>
          %gather3A_140 = tpu.vector_load_idx %arg5[%iota3A, %add3A_139] : memref<16x1537xf32, #tpu.memory_space<vmem>>[vector<16xi32>, vector<16xi32>], vector<16xf32>,
          %add3A_141 = arith.constant 6 : i32
          %add3A_142 = arith.addi %mul3A_72, %add3A_141 : i32
          %mul3A_143 = arith.constant 16 : i32
          %mul3A_144 = arith.muli %add3A_142, %mul3A_143 : i32
          %swap3A_145 = arith.index_cast %mul3A_144 : i32 to index
          %swap3A_146 = tpu.vector_load %arg7[%swap3A_145] {strides = array<i32>} : memref<24576xf32, #tpu.memory_space<vmem>>, vector<16xf32>,
          tpu.vector_store %arg7[%swap3A_145], %gather3A_140 {strides = array<i32>} : memref<24576xf32, #tpu.memory_space<vmem>>, vector<16xf32>,
          %broadcast_in_dim3A_147 = arith.constant 7 : i32
          %broadcast_in_dim3A_148 = vector.broadcast %broadcast_in_dim3A_147 : i32 to vector<16xi32>
          %add3A_149 = vector.broadcast %mul3A_72 : i32 to vector<16xi32>
          %add3A_150 = arith.addi %broadcast_in_dim3A_148, %add3A_149 : vector<16xi32>
          %gather3A_151 = tpu.vector_load_idx %arg5[%iota3A, %add3A_150] : memref<16x1537xf32, #tpu.memory_space<vmem>>[vector<16xi32>, vector<16xi32>], vector<16xf32>,
          %add3A_152 = arith.constant 7 : i32
          %add3A_153 = arith.addi %mul3A_72, %add3A_152 : i32
          %mul3A_154 = arith.constant 16 : i32
          %mul3A_155 = arith.muli %add3A_153, %mul3A_154 : i32
          %swap3A_156 = arith.index_cast %mul3A_155 : i32 to index
          %swap3A_157 = tpu.vector_load %arg7[%swap3A_156] {strides = array<i32>} : memref<24576xf32, #tpu.memory_space<vmem>>, vector<16xf32>,
          tpu.vector_store %arg7[%swap3A_156], %gather3A_151 {strides = array<i32>} : memref<24576xf32, #tpu.memory_space<vmem>>, vector<16xf32>,
          %scan3A_158 = arith.constant 0 : i32
          scf.yield %scan3A_158 : i32
        }
        %scan3A_56 = arith.constant 192 : i32
        %mul3A_57 = arith.constant 32 : i32
        %mul3A_58 = arith.muli %mul3A_27, %mul3A_57 : i32
        %add3A_59 = arith.addi %add3A, %mul3A_58 : i32
        %mul3A_60 = arith.constant 1536 : i32
        %mul3A_61 = arith.muli %add3A_59, %mul3A_60 : i32
        %multiple_of3A_62 = tpu.assume_multiple %mul3A_61, 128 : i32
        %mul3A_63 = arith.constant 16 : i32
        %mul3A_64 = arith.muli %multiple_of3A_62, %mul3A_63 : i32
        "tpu.region"() ({
          %run_scoped3A = tpu.sem_alloc : memref<!tpu.dma_semaphore, #tpu.memory_space<semaphore_mem>>
          %dma_start3A_69 = tpu.memref_slice %arg4[%mul3A_64] : memref<16000000xf32, #tpu.memory_space<hbm>> -> memref<24576xf32, #tpu.memory_space<hbm>>
          %dma_start3A_70 = tpu.memref_slice %arg4[%mul3A_64] : memref<16000000xf32, #tpu.memory_space<hbm>> -> memref<24576xf32, #tpu.memory_space<hbm>>
          tpu.enqueue_dma source(%arg7 : memref<24576xf32, #tpu.memory_space<vmem>>) target(%dma_start3A_70 : memref<24576xf32, #tpu.memory_space<hbm>>) target_semaphore(%run_scoped3A : memref<!tpu.dma_semaphore, #tpu.memory_space<semaphore_mem>>)
          %dma_wait3A_71 = tpu.memref_slice %arg4[%mul3A_64] : memref<16000000xf32, #tpu.memory_space<hbm>> -> memref<24576xf32, #tpu.memory_space<hbm>>
          %dma_wait3A_72 = tpu.memref_slice %arg4[%mul3A_64] : memref<16000000xf32, #tpu.memory_space<hbm>> -> memref<24576xf32, #tpu.memory_space<hbm>>
          tpu.wait_dma2 semaphore(%run_scoped3A : memref<!tpu.dma_semaphore, #tpu.memory_space<semaphore_mem>>) src(%arg7 : memref<24576xf32, #tpu.memory_space<vmem>>) dst(%dma_wait3A_72 : memref<24576xf32, #tpu.memory_space<hbm>>)
          tpu.yield
        }) : () -> ()
        %lt3A_65 = arith.cmpi slt, %add3A_29, %select_n3A : i32
        %convert_element_type3A_66 = arith.extui %lt3A_65 : i1 to i32
        %cond3A_67 = arith.constant 0 : i32
        %cond3A_68 = arith.cmpi ne, %convert_element_type3A_66, %cond3A_67 : i32
        scf.if %cond3A_68 {
          %add3A_69 = arith.constant 1 : i32
          %add3A_70 = arith.addi %add3A_29, %add3A_69 : i32
          %lt3A_71 = arith.cmpi slt, %add3A_70, %select_n3A : i32
          %convert_element_type3A_72 = arith.extui %lt3A_71 : i1 to i32
          %cond3A_73 = arith.constant 0 : i32
          %cond3A_74 = arith.cmpi ne, %convert_element_type3A_72, %cond3A_73 : i32
          scf.if %cond3A_74 {
            %add3A_102 = arith.constant 1 : i32
            %add3A_103 = arith.addi %add3A_29, %add3A_102 : i32
            %mul3A_104 = arith.constant 32 : i32
            %mul3A_105 = arith.muli %add3A_103, %mul3A_104 : i32
            %add3A_106 = arith.addi %add3A, %mul3A_105 : i32
            %mul3A_107 = arith.constant 1536 : i32
            %mul3A_108 = arith.muli %add3A_106, %mul3A_107 : i32
            %multiple_of3A_109 = tpu.assume_multiple %mul3A_108, 128 : i32
            %dma_start3A_110 = arith.constant 0 : i32
            %dma_start3A_111 = arith.constant 0 : i32
            %dma_start3A_112 = tpu.memref_slice %arg5[%dma_start3A_110, %dma_start3A_111] : memref<16x1537xf32, #tpu.memory_space<vmem>> -> memref<16x1536xf32, #tpu.memory_space<vmem>>
            %dma_start3A_113 = arith.constant 0 : i32
            %dma_start3A_114 = tpu.memref_slice %arg2[%dma_start3A_113, %multiple_of3A_109] : memref<16x1000000xf32, #tpu.memory_space<hbm>> -> memref<16x1536xf32, #tpu.memory_space<hbm>>
            %dma_start3A_115 = arith.constant 0 : i32
            %dma_start3A_116 = arith.constant 0 : i32
            %dma_start3A_117 = tpu.memref_slice %arg5[%dma_start3A_115, %dma_start3A_116] : memref<16x1537xf32, #tpu.memory_space<vmem>> -> memref<16x1536xf32, #tpu.memory_space<vmem>>
            %dma_start3A_118 = arith.constant 0 : i32
            %dma_start3A_119 = tpu.memref_slice %arg2[%dma_start3A_118, %multiple_of3A_109] : memref<16x1000000xf32, #tpu.memory_space<hbm>> -> memref<16x1536xf32, #tpu.memory_space<hbm>>
            tpu.enqueue_dma source(%dma_start3A_119 : memref<16x1536xf32, #tpu.memory_space<hbm>>) target(%dma_start3A_117 : memref<16x1536xf32, #tpu.memory_space<vmem>>) target_semaphore(%arg8 : memref<!tpu.dma_semaphore, #tpu.memory_space<semaphore_mem>>)
          } else {
          }
          %dma_wait3A_75 = arith.constant 0 : i32
          %dma_wait3A_76 = arith.constant 0 : i32
          %dma_wait3A_77 = tpu.memref_slice %arg6[%dma_wait3A_75, %dma_wait3A_76] : memref<16x1537xf32, #tpu.memory_space<vmem>> -> memref<16x1536xf32, #tpu.memory_space<vmem>>
          %dma_wait3A_78 = arith.constant 0 : i32
          %dma_wait3A_79 = arith.constant 0 : i32
          %dma_wait3A_80 = tpu.memref_slice %arg2[%dma_wait3A_78, %dma_wait3A_79] : memref<16x1000000xf32, #tpu.memory_space<hbm>> -> memref<16x1536xf32, #tpu.memory_space<hbm>>
          %dma_wait3A_81 = arith.constant 0 : i32
          %dma_wait3A_82 = arith.constant 0 : i32
          %dma_wait3A_83 = tpu.memref_slice %arg6[%dma_wait3A_81, %dma_wait3A_82] : memref<16x1537xf32, #tpu.memory_space<vmem>> -> memref<16x1536xf32, #tpu.memory_space<vmem>>
          %dma_wait3A_84 = arith.constant 0 : i32
          %dma_wait3A_85 = arith.constant 0 : i32
          %dma_wait3A_86 = tpu.memref_slice %arg2[%dma_wait3A_84, %dma_wait3A_85] : memref<16x1000000xf32, #tpu.memory_space<hbm>> -> memref<16x1536xf32, #tpu.memory_space<hbm>>
          tpu.wait_dma2 semaphore(%arg9 : memref<!tpu.dma_semaphore, #tpu.memory_space<semaphore_mem>>) src(%dma_wait3A_86 : memref<16x1536xf32, #tpu.memory_space<hbm>>) dst(%dma_wait3A_83 : memref<16x1536xf32, #tpu.memory_space<vmem>>)
          %scan3A_87 = arith.constant 0 : i32
          %scan3A_88 = arith.constant 0 : i32
          %scan3A_89 = arith.constant 192 : i32
          %scan3A_90 = arith.addi %scan3A_88, %scan3A_89 : i32
          %scan3A_91 = arith.constant 1 : i32
          %scan3A_92 = scf.for %scan3A_102 = %scan3A_88 to %scan3A_90 step %scan3A_91 iter_args(%scan3A_103 = %scan3A_87) -> (i32)  : i32 {
            %mul3A_104 = arith.constant 8 : i32
            %mul3A_105 = arith.muli %scan3A_102, %mul3A_104 : i32
            %broadcast_in_dim3A = arith.constant 0 : i32
            %broadcast_in_dim3A_106 = vector.broadcast %broadcast_in_dim3A : i32 to vector<16xi32>
            %add3A_107 = vector.broadcast %mul3A_105 : i32 to vector<16xi32>
            %add3A_108 = arith.addi %broadcast_in_dim3A_106, %add3A_107 : vector<16xi32>
            %gather3A = tpu.vector_load_idx %arg6[%iota3A, %add3A_108] : memref<16x1537xf32, #tpu.memory_space<vmem>>[vector<16xi32>, vector<16xi32>], vector<16xf32>,
            %add3A_109 = arith.constant 0 : i32
            %add3A_110 = arith.addi %mul3A_105, %add3A_109 : i32
            %mul3A_111 = arith.constant 16 : i32
            %mul3A_112 = arith.muli %add3A_110, %mul3A_111 : i32
            %swap3A = arith.index_cast %mul3A_112 : i32 to index
            %swap3A_113 = tpu.vector_load %arg7[%swap3A] {strides = array<i32>} : memref<24576xf32, #tpu.memory_space<vmem>>, vector<16xf32>,
            tpu.vector_store %arg7[%swap3A], %gather3A {strides = array<i32>} : memref<24576xf32, #tpu.memory_space<vmem>>, vector<16xf32>,
            %broadcast_in_dim3A_114 = arith.constant 1 : i32
            %broadcast_in_dim3A_115 = vector.broadcast %broadcast_in_dim3A_114 : i32 to vector<16xi32>
            %add3A_116 = vector.broadcast %mul3A_105 : i32 to vector<16xi32>
            %add3A_117 = arith.addi %broadcast_in_dim3A_115, %add3A_116 : vector<16xi32>
            %gather3A_118 = tpu.vector_load_idx %arg6[%iota3A, %add3A_117] : memref<16x1537xf32, #tpu.memory_space<vmem>>[vector<16xi32>, vector<16xi32>], vector<16xf32>,
            %add3A_119 = arith.constant 1 : i32
            %add3A_120 = arith.addi %mul3A_105, %add3A_119 : i32
            %mul3A_121 = arith.constant 16 : i32
            %mul3A_122 = arith.muli %add3A_120, %mul3A_121 : i32
            %swap3A_123 = arith.index_cast %mul3A_122 : i32 to index
            %swap3A_124 = tpu.vector_load %arg7[%swap3A_123] {strides = array<i32>} : memref<24576xf32, #tpu.memory_space<vmem>>, vector<16xf32>,
            tpu.vector_store %arg7[%swap3A_123], %gather3A_118 {strides = array<i32>} : memref<24576xf32, #tpu.memory_space<vmem>>, vector<16xf32>,
            %broadcast_in_dim3A_125 = arith.constant 2 : i32
            %broadcast_in_dim3A_126 = vector.broadcast %broadcast_in_dim3A_125 : i32 to vector<16xi32>
            %add3A_127 = vector.broadcast %mul3A_105 : i32 to vector<16xi32>
            %add3A_128 = arith.addi %broadcast_in_dim3A_126, %add3A_127 : vector<16xi32>
            %gather3A_129 = tpu.vector_load_idx %arg6[%iota3A, %add3A_128] : memref<16x1537xf32, #tpu.memory_space<vmem>>[vector<16xi32>, vector<16xi32>], vector<16xf32>,
            %add3A_130 = arith.constant 2 : i32
            %add3A_131 = arith.addi %mul3A_105, %add3A_130 : i32
            %mul3A_132 = arith.constant 16 : i32
            %mul3A_133 = arith.muli %add3A_131, %mul3A_132 : i32
            %swap3A_134 = arith.index_cast %mul3A_133 : i32 to index
            %swap3A_135 = tpu.vector_load %arg7[%swap3A_134] {strides = array<i32>} : memref<24576xf32, #tpu.memory_space<vmem>>, vector<16xf32>,
            tpu.vector_store %arg7[%swap3A_134], %gather3A_129 {strides = array<i32>} : memref<24576xf32, #tpu.memory_space<vmem>>, vector<16xf32>,
            %broadcast_in_dim3A_136 = arith.constant 3 : i32
            %broadcast_in_dim3A_137 = vector.broadcast %broadcast_in_dim3A_136 : i32 to vector<16xi32>
            %add3A_138 = vector.broadcast %mul3A_105 : i32 to vector<16xi32>
            %add3A_139 = arith.addi %broadcast_in_dim3A_137, %add3A_138 : vector<16xi32>
            %gather3A_140 = tpu.vector_load_idx %arg6[%iota3A, %add3A_139] : memref<16x1537xf32, #tpu.memory_space<vmem>>[vector<16xi32>, vector<16xi32>], vector<16xf32>,
            %add3A_141 = arith.constant 3 : i32
            %add3A_142 = arith.addi %mul3A_105, %add3A_141 : i32
            %mul3A_143 = arith.constant 16 : i32
            %mul3A_144 = arith.muli %add3A_142, %mul3A_143 : i32
            %swap3A_145 = arith.index_cast %mul3A_144 : i32 to index
            %swap3A_146 = tpu.vector_load %arg7[%swap3A_145] {strides = array<i32>} : memref<24576xf32, #tpu.memory_space<vmem>>, vector<16xf32>,
            tpu.vector_store %arg7[%swap3A_145], %gather3A_140 {strides = array<i32>} : memref<24576xf32, #tpu.memory_space<vmem>>, vector<16xf32>,
            %broadcast_in_dim3A_147 = arith.constant 4 : i32
            %broadcast_in_dim3A_148 = vector.broadcast %broadcast_in_dim3A_147 : i32 to vector<16xi32>
            %add3A_149 = vector.broadcast %mul3A_105 : i32 to vector<16xi32>
            %add3A_150 = arith.addi %broadcast_in_dim3A_148, %add3A_149 : vector<16xi32>
            %gather3A_151 = tpu.vector_load_idx %arg6[%iota3A, %add3A_150] : memref<16x1537xf32, #tpu.memory_space<vmem>>[vector<16xi32>, vector<16xi32>], vector<16xf32>,
            %add3A_152 = arith.constant 4 : i32
            %add3A_153 = arith.addi %mul3A_105, %add3A_152 : i32
            %mul3A_154 = arith.constant 16 : i32
            %mul3A_155 = arith.muli %add3A_153, %mul3A_154 : i32
            %swap3A_156 = arith.index_cast %mul3A_155 : i32 to index
            %swap3A_157 = tpu.vector_load %arg7[%swap3A_156] {strides = array<i32>} : memref<24576xf32, #tpu.memory_space<vmem>>, vector<16xf32>,
            tpu.vector_store %arg7[%swap3A_156], %gather3A_151 {strides = array<i32>} : memref<24576xf32, #tpu.memory_space<vmem>>, vector<16xf32>,
            %broadcast_in_dim3A_158 = arith.constant 5 : i32
            %broadcast_in_dim3A_159 = vector.broadcast %broadcast_in_dim3A_158 : i32 to vector<16xi32>
            %add3A_160 = vector.broadcast %mul3A_105 : i32 to vector<16xi32>
            %add3A_161 = arith.addi %broadcast_in_dim3A_159, %add3A_160 : vector<16xi32>
            %gather3A_162 = tpu.vector_load_idx %arg6[%iota3A, %add3A_161] : memref<16x1537xf32, #tpu.memory_space<vmem>>[vector<16xi32>, vector<16xi32>], vector<16xf32>,
            %add3A_163 = arith.constant 5 : i32
            %add3A_164 = arith.addi %mul3A_105, %add3A_163 : i32
            %mul3A_165 = arith.constant 16 : i32
            %mul3A_166 = arith.muli %add3A_164, %mul3A_165 : i32
            %swap3A_167 = arith.index_cast %mul3A_166 : i32 to index
            %swap3A_168 = tpu.vector_load %arg7[%swap3A_167] {strides = array<i32>} : memref<24576xf32, #tpu.memory_space<vmem>>, vector<16xf32>,
            tpu.vector_store %arg7[%swap3A_167], %gather3A_162 {strides = array<i32>} : memref<24576xf32, #tpu.memory_space<vmem>>, vector<16xf32>,
            %broadcast_in_dim3A_169 = arith.constant 6 : i32
            %broadcast_in_dim3A_170 = vector.broadcast %broadcast_in_dim3A_169 : i32 to vector<16xi32>
            %add3A_171 = vector.broadcast %mul3A_105 : i32 to vector<16xi32>
            %add3A_172 = arith.addi %broadcast_in_dim3A_170, %add3A_171 : vector<16xi32>
            %gather3A_173 = tpu.vector_load_idx %arg6[%iota3A, %add3A_172] : memref<16x1537xf32, #tpu.memory_space<vmem>>[vector<16xi32>, vector<16xi32>], vector<16xf32>,
            %add3A_174 = arith.constant 6 : i32
            %add3A_175 = arith.addi %mul3A_105, %add3A_174 : i32
            %mul3A_176 = arith.constant 16 : i32
            %mul3A_177 = arith.muli %add3A_175, %mul3A_176 : i32
            %swap3A_178 = arith.index_cast %mul3A_177 : i32 to index
            %swap3A_179 = tpu.vector_load %arg7[%swap3A_178] {strides = array<i32>} : memref<24576xf32, #tpu.memory_space<vmem>>, vector<16xf32>,
            tpu.vector_store %arg7[%swap3A_178], %gather3A_173 {strides = array<i32>} : memref<24576xf32, #tpu.memory_space<vmem>>, vector<16xf32>,
            %broadcast_in_dim3A_180 = arith.constant 7 : i32
            %broadcast_in_dim3A_181 = vector.broadcast %broadcast_in_dim3A_180 : i32 to vector<16xi32>
            %add3A_182 = vector.broadcast %mul3A_105 : i32 to vector<16xi32>
            %add3A_183 = arith.addi %broadcast_in_dim3A_181, %add3A_182 : vector<16xi32>
            %gather3A_184 = tpu.vector_load_idx %arg6[%iota3A, %add3A_183] : memref<16x1537xf32, #tpu.memory_space<vmem>>[vector<16xi32>, vector<16xi32>], vector<16xf32>,
            %add3A_185 = arith.constant 7 : i32
            %add3A_186 = arith.addi %mul3A_105, %add3A_185 : i32
            %mul3A_187 = arith.constant 16 : i32
            %mul3A_188 = arith.muli %add3A_186, %mul3A_187 : i32
            %swap3A_189 = arith.index_cast %mul3A_188 : i32 to index
            %swap3A_190 = tpu.vector_load %arg7[%swap3A_189] {strides = array<i32>} : memref<24576xf32, #tpu.memory_space<vmem>>, vector<16xf32>,
            tpu.vector_store %arg7[%swap3A_189], %gather3A_184 {strides = array<i32>} : memref<24576xf32, #tpu.memory_space<vmem>>, vector<16xf32>,
            %scan3A_191 = arith.constant 0 : i32
            scf.yield %scan3A_191 : i32
          }
          %scan3A_93 = arith.constant 192 : i32
          %mul3A_94 = arith.constant 32 : i32
          %mul3A_95 = arith.muli %add3A_29, %mul3A_94 : i32
          %add3A_96 = arith.addi %add3A, %mul3A_95 : i32
          %mul3A_97 = arith.constant 1536 : i32
          %mul3A_98 = arith.muli %add3A_96, %mul3A_97 : i32
          %multiple_of3A_99 = tpu.assume_multiple %mul3A_98, 128 : i32
          %mul3A_100 = arith.constant 16 : i32
          %mul3A_101 = arith.muli %multiple_of3A_99, %mul3A_100 : i32
          "tpu.region"() ({
            %run_scoped3A = tpu.sem_alloc : memref<!tpu.dma_semaphore, #tpu.memory_space<semaphore_mem>>
            %dma_start3A_102 = tpu.memref_slice %arg4[%mul3A_101] : memref<16000000xf32, #tpu.memory_space<hbm>> -> memref<24576xf32, #tpu.memory_space<hbm>>
            %dma_start3A_103 = tpu.memref_slice %arg4[%mul3A_101] : memref<16000000xf32, #tpu.memory_space<hbm>> -> memref<24576xf32, #tpu.memory_space<hbm>>
            tpu.enqueue_dma source(%arg7 : memref<24576xf32, #tpu.memory_space<vmem>>) target(%dma_start3A_103 : memref<24576xf32, #tpu.memory_space<hbm>>) target_semaphore(%run_scoped3A : memref<!tpu.dma_semaphore, #tpu.memory_space<semaphore_mem>>)
            %dma_wait3A_104 = tpu.memref_slice %arg4[%mul3A_101] : memref<16000000xf32, #tpu.memory_space<hbm>> -> memref<24576xf32, #tpu.memory_space<hbm>>
            %dma_wait3A_105 = tpu.memref_slice %arg4[%mul3A_101] : memref<16000000xf32, #tpu.memory_space<hbm>> -> memref<24576xf32, #tpu.memory_space<hbm>>
            tpu.wait_dma2 semaphore(%run_scoped3A : memref<!tpu.dma_semaphore, #tpu.memory_space<semaphore_mem>>) src(%arg7 : memref<24576xf32, #tpu.memory_space<vmem>>) dst(%dma_wait3A_105 : memref<24576xf32, #tpu.memory_space<hbm>>)
            tpu.yield
          }) : () -> ()
        } else {
        }
      } else {
      }
      %scan3A_34 = arith.constant 0 : i32
      scf.yield %scan3A_34 : i32
    }
    %scan3A_21 = arith.constant 11 : i32
    %eq3A = arith.constant 0 : i32
    %eq3A_22 = arith.cmpi eq, %add3A, %eq3A : i32
    %convert_element_type3A = arith.extui %eq3A_22 : i1 to i32
    %cond3A = arith.constant 0 : i32
    %cond3A_23 = arith.cmpi ne, %convert_element_type3A, %cond3A : i32
    scf.if %cond3A_23 {
      "tpu.region"() ({
        %run_scoped3A = tpu.sem_alloc : memref<!tpu.dma_semaphore, #tpu.memory_space<semaphore_mem>>
        %dma_start3A_24 = arith.constant 15998976 : i32
        %dma_start3A_25 = tpu.memref_slice %arg4[%dma_start3A_24] : memref<16000000xf32, #tpu.memory_space<hbm>> -> memref<1024xf32, #tpu.memory_space<hbm>>
        tpu.enqueue_dma source(%arg3 : memref<1024xf32, #tpu.memory_space<hbm>>) target(%dma_start3A_25 : memref<1024xf32, #tpu.memory_space<hbm>>) target_semaphore(%run_scoped3A : memref<!tpu.dma_semaphore, #tpu.memory_space<semaphore_mem>>)
        %dma_wait3A = arith.constant 15998976 : i32
        %dma_wait3A_26 = tpu.memref_slice %arg4[%dma_wait3A] : memref<16000000xf32, #tpu.memory_space<hbm>> -> memref<1024xf32, #tpu.memory_space<hbm>>
        tpu.wait_dma2 semaphore(%run_scoped3A : memref<!tpu.dma_semaphore, #tpu.memory_space<semaphore_mem>>) src(%arg3 : memref<1024xf32, #tpu.memory_space<hbm>>) dst(%dma_wait3A_26 : memref<1024xf32, #tpu.memory_space<hbm>>)
        tpu.yield
      }) : () -> ()
    } else {
    }
    return
  }
}

</mosaic_0001>

<sc_bundles>
// kernel: _relayout_sc.3.cloned.1.call-start
scs
__scs_entry_jumppad:
0x0: {  	(pc) =	sbr.rel $0x88, $3  }
0x1: {  	(tag) =	ssettag $0x0;
	lr =	simm.s32 $0x1  }
0x2: {  	[smem:$0x3F9F] =	sst lr;
	_ =	strace $0xD0000000  }
0x3: {  	_ = 	snop  }
0x4: {  	_ = 	snop  }
0x5: {  	_ = 	snop  }
0x6: {  	_ = 	snop  }
0x7: {  	_ = 	snop  }
__scs_overlays_trampoline_lowered:
0x8: {  	[smem:$0x3FAE] =	sst s0  }
0x9: {  	[smem:$0x3FAF] =	sst s1  }
0xa: {  	[smem:$0x3FB0] =	sst s2  }
0xb: {  	[smem:$0x3FB1] =	sst s3  }
0xc: {  	[smem:$0x3FB2] =	sst s4  }
0xd: {  	[smem:$0x3FB3] =	sst s5  }
0xe: {  	[smem:$0x3FB4] =	sst s6  }
0xf: {  	[smem:$0x3FB5] =	sst s7  }
0x10: {  	[smem:$0x3FB6] =	sst s8  }
0x11: {  	[smem:$0x3FB7] =	sst s9;
	s0 =	simm.s32 @!p0 $0x0  }
0x12: {  	s1 =	sld [smem:$0x3F9D];
	s0 =	simm.s32 @p0 $0x1  }
0x13: {  	[smem:$0x3FB8] =	sst s0;
	s0 =	simm.s32 @!p1 $0x0  }
0x14: {  	s2 =	sld [smem:$0x3F9C];
	s0 =	simm.s32 @p1 $0x1  }
0x15: {  	[smem:$0x3FB9] =	sst s0;
	s0 =	simm.s32 @!p2 $0x0  }
0x16: {  	s3 =	sld [smem:$0x3FDB];
	s0 =	simm.s32 @p2 $0x1  }
0x17: {  	s4 =	simm.s32 $0x1BF5;
	[smem:$0x3FBB] =	sst s0  }
0x18: {  	s0 =	sld [smem:$0x3F9E];
	_ =	swait.ge [sflag:s4], $0x0  }
0x19: {  	s7 =	sld [smem:$0x3F9F]  }
0x1a: {  	s8 =	sadd.s32 $0xFFFFE003, lr  }
0x1b: {  	s9 =	sadd.s32 $0xFFFFFEF7, lr;
	s5 =	simm.s32 $0xFFFFFFFF;
	p2 =	slt.u32 s8, $0xFFFFF086  }
0x1c: {  	p1 =	slt.u32 s9, $0xF7A;
	s5 =	simm.s32 @!p2 $0x0  }
0x1d: {  	s5 =	simm.s32 @p1 $0x1;
	p0 =	seq.s32 s7, s2  }
0x1e: {  	s7 =	smul.u32 @!p0 $0xF7A, s2;
	p2 =	seq.s32 @!p0 s5, $0x0  }
0x1f: {  	s9 =	smul.u32 $0xF7A, s1;
	s8 =	simm.s32 @!p0 $0x1BF5;
	p2 =	por !p2, p0  }
0x20: {  	[sflag:s8] =	ssyncset.s32 @!p0 $0xFFFFF086;
	s6 =	sadd.s32 @!p0 s3, s7;
	s7 =	simm.s32 @!p0 $0x108  }
0x21: {  	s3 =	sadd.s32 s3, s9;
	s6 =	sadd.s32 @!p0 $0x88, s6;
	s7 =	simm.s32 @p2 $0x1082  }
0x22: {  	[simem:s7], [sflag:s8] =	dma.local @!p0 [hbm:s6], $0xF7A  }
0x23: {  	s9 =	sor.u32 $0xD0000000, s2;
	s6 =	simm.s32 $0x108;
	_ =	swait.ge @!p0 [sflag:s8], $0x0  }
0x24: {  	s3 =	sadd.s32 $0x88, s3;
	s6 =	simm.s32 @!p1 $0x1082;
	[sflag:s4] =	ssyncset.s32 $0xFFFFF086  }
0x25: {  	[simem:s6], [sflag:s4] =	dma.local [hbm:s3], $0xF7A  }
0x26: {  	[smem:$0x3F9F] =	sst s1;
	(tag) =	ssettag s2;
	_ =	strace s9  }
0x27: {  	s1 =	sld [smem:$0x3FAF]  }
0x28: {  	s2 =	sld [smem:$0x3FB0]  }
0x29: {  	s4 =	sld [smem:$0x3FB2]  }
0x2a: {  	p0 =	seq.s32 s5, $0x0;
	s5 =	sld [smem:$0x3FB3]  }
0x2b: {  	s6 =	sld [smem:$0x3FB4]  }
0x2c: {  	s7 =	sld [smem:$0x3FB5]  }
0x2d: {  	s3 =	simm.s32 $0x108;
	s8 =	sld [smem:$0x3FB6]  }
0x2e: {  	s3 =	simm.s32 @!p0 $0x1082;
	s9 =	sld [smem:$0x3FB7]  }
0x2f: {  	lr =	sadd.s32 s0, s3;
	s0 =	sld [smem:$0x3FAE]  }
0x30: {  	s3 =	sld [smem:$0x3FB1]  }
0x31: {  	[smem:$0x3FBA] =	sst s10  }
0x32: {  	s10 =	sld [smem:$0x3FB8];
	_ =	sdelay $0x3  }
0x33: {  	p0 =	seq.s32 s10, $0x1;
	s10 =	sld [smem:$0x3FBA];
	_ =	sdelay $0x3  }
0x34: {  	[smem:$0x3FBA] =	sst s10  }
0x35: {  	s10 =	sld [smem:$0x3FB9];
	_ =	sdelay $0x3  }
0x36: {  	p1 =	seq.s32 s10, $0x1;
	s10 =	sld [smem:$0x3FBA];
	_ =	sdelay $0x3  }
0x37: {  	[smem:$0x3FBA] =	sst s10  }
0x38: {  	s10 =	sld [smem:$0x3FBB]  }
0x39: {  	_ = 	snop;
	(pc) =	sbr.ind lr, $3  }
0x3a: {  	_ = 	snop  }
0x3b: {  	_ = 	snop  }
0x3c: {  	p2 =	seq.s32 s10, $0x1;
	s10 =	sld [smem:$0x3FBA]  }
0x3d: {  	_ =	shalt  }
0x3e: {  	_ =	shalt  }
0x3f: {  	_ =	shalt  }
0x40: {  	_ =	shalt  }
0x41: {  	_ =	shalt  }
0x42: {  	_ =	shalt  }
0x43: {  	_ =	shalt  }
0x44: {  	_ =	shalt  }
0x45: {  	_ =	shalt  }
0x46: {  	_ =	shalt  }
0x47: {  	_ =	shalt  }
0x48: {  	_ =	shalt  }
0x49: {  	_ =	shalt  }
0x4a: {  	_ =	shalt  }
0x4b: {  	_ =	shalt  }
0x4c: {  	_ =	shalt  }
0x4d: {  	_ =	shalt  }
0x4e: {  	_ =	shalt  }
0x4f: {  	_ =	shalt  }
0x50: {  	_ =	shalt  }
0x51: {  	_ =	shalt  }
0x52: {  	_ =	shalt  }
0x53: {  	_ =	shalt  }
0x54: {  	_ =	shalt  }
0x55: {  	_ =	shalt  }
0x56: {  	_ =	shalt  }
0x57: {  	_ =	shalt  }
0x58: {  	_ =	shalt  }
0x59: {  	_ =	shalt  }
0x5a: {  	_ =	shalt  }
0x5b: {  	_ =	shalt  }
0x5c: {  	_ =	shalt  }
0x5d: {  	_ =	shalt  }
0x5e: {  	_ =	shalt  }
0x5f: {  	_ =	shalt  }
0x60: {  	_ =	shalt  }
0x61: {  	_ =	shalt  }
0x62: {  	_ =	shalt  }
0x63: {  	_ =	shalt  }
0x64: {  	_ =	shalt  }
0x65: {  	_ =	shalt  }
0x66: {  	_ =	shalt  }
0x67: {  	_ =	shalt  }
0x68: {  	_ =	shalt  }
0x69: {  	_ =	shalt  }
0x6a: {  	_ =	shalt  }
0x6b: {  	_ =	shalt  }
0x6c: {  	_ =	shalt  }
0x6d: {  	_ =	shalt  }
0x6e: {  	_ =	shalt  }
0x6f: {  	_ =	shalt  }
0x70: {  	_ =	shalt  }
0x71: {  	_ =	shalt  }
0x72: {  	_ =	shalt  }
0x73: {  	_ =	shalt  }
0x74: {  	_ =	shalt  }
0x75: {  	_ =	shalt  }
0x76: {  	_ =	shalt  }
0x77: {  	_ =	shalt  }
0x78: {  	_ =	shalt  }
0x79: {  	_ =	shalt  }
0x7a: {  	_ =	shalt  }
0x7b: {  	_ =	shalt  }
0x7c: {  	_ =	shalt  }
0x7d: {  	_ =	shalt  }
0x7e: {  	_ =	shalt  }
0x7f: {  	_ =	shalt  }
0x80: {  	_ =	shalt  }
0x81: {  	_ =	shalt  }
0x82: {  	_ =	shalt  }
0x83: {  	_ =	shalt  }
0x84: {  	_ =	shalt  }
0x85: {  	_ =	shalt  }
0x86: {  	_ =	shalt  }
0x87: {  	_ =	shalt  }
.Lfunc_end0:
.L_simem_size_0:
called_computation_lowered:
.L_overlay_start_0:
0x88: {  	s2 =	sld [smem:$0x3FD9]  }
0x89: {  	s3 =	sld [smem:$0x3FFE];
	_ =	sdelay $0x1  }
0x8a: {  	s1 =	srdreg.scid  }
0x8b: {  	s0 =	sand.u32 $0x1, s1  }
0x8c: {  	s18 =	sshll.u32 s0, $0xA;
	s2 =	sadd.s32 s3, s2  }
0x8d: {  	s2 =	sadd.s32 s2, s18  }
0x8e: {  	[smem:$0x3FC6] =	sst s2  }
0x8f: {  	_ = 	snop  }
0x90: {  	s2 =	sld [smem:$0x3FC9]  }
0x91: {  	s19 =	sld [smem:$0x3FC8]  }
0x92: {  	s4 =	sld [smem:$0x3FD0];
	(tm) =	ssettm $0x1  }
0x93: {  	s5 =	sld [smem:$0x3FFB];
	_ =	sdelay $0x3  }
0x94: {  	_ =	strace s5  }
0x95: {  	s5 =	sld [smem:$0x3FFC];
	_ =	sdelay $0x3  }
0x96: {  	_ =	strace s5  }
0x97: {  	s5 =	sld [smem:$0x3FFD];
	_ =	sdelay $0x3  }
0x98: {  	_ =	strace s5  }
0x99: {  	_ =	strace $0x8FFFFFFF  }
0x9a: {  	s20 =	sld [smem:$0x3FDB];
	_ =	sdelay $0x1  }
0x9b: {  	s6 =	simm.s32 $_scs_section_size  }
0x9c: {  	s7 =	simm.s32 $_size__tile_overlayer_lowered;
	s8 =	simm.s32 $_tile_overlayer_lowered  }
0x9d: {  	s23 =	simm.s32 $0x1BFF;
	s22 =	sshll.u32 s8, $0x1;
	s5 =	sadd.s32 s6, s20  }
0x9e: {  	s9 =	simm.s32 $0x0;
	s21 =	sshll.u32 s7, $0x1;
	s7 =	sadd.s32 s22, s5  }
0x9f: {  	[timem:s9], [sflag:s23] =	dma.local [hbm:s7], s21  }
0xa0: {  	_ =	swait.ge [sflag:s23], s21  }
0xa1: {  	s6 =	ssub.s32 $0x0, s21;
	[sflag:s23] =	ssyncset.done $0x0  }
0xa2: {  	[sflag:s23] =	ssyncadd.s32 s6;
	_ =	sdelay $0x1  }
0xa3: {  	s24 =	simm.s32 $0x1B8B  }
0xa4: {  	_ =	swait.ge [sflag:s24], $0x1  }
0xa5: {  	[sflag:s24] =	ssyncset.done $0x0  }
0xa6: {  	s25 =	simm.s32 $0x1B8E;
	[sflag:s24] =	ssyncadd.s32 $0xFFFFFFFF  }
0xa7: {  	s26 =	simm.s32 $execute0_lowered;
	[smem:$0x3FD2] =	sst s25  }
0xa8: {  	s6 =	sshll.u32 s26, $0x1;
	_ =	strace $0x80000046;
	[dreg:$0x1] =	wrdreg $0xFFFFFFFF  }
0xa9: {  	s28 =	simm.s32 $_size_execute0_lowered;
	s5 =	sadd.s32 s5, s6;
	[dreg:$0x0] =	wrdreg $0x0  }
0xaa: {  	s6 =	sshll.u32 s28, $0x1;
	[dreg:$0x2] =	wrdreg s5  }
0xab: {  	[dreg:$0x3] =	wrdreg s6  }
0xac: {  	[dreg:$0x4] =	wrdreg $0xC0  }
0xad: {  	_ =	task [dreg:s9], $0x5FFFF  }
0xae: {  	[dreg:$0x1] =	wrdreg $0xFFFFFFFF  }
0xaf: {  	[dreg:$0x0] =	wrdreg $0x60  }
0xb0: {  	[dreg:$0x2] =	wrdreg s2  }
0xb1: {  	[dreg:$0x3] =	wrdreg s19  }
0xb2: {  	[dreg:$0x4] =	wrdreg s4  }
0xb3: {  	[dreg:$0x5] =	wrdreg $0x9  }
0xb4: {  	_ =	task.clear_ibuf [dreg:s9], $0x6FFFF;
	_ =	strace $0x90000046  }
0xb5: {  	s29 =	simm.s32 $0x9;
	_ =	strace $0x80000048  }
0xb6: {  	_ =	swait.ge [sflag:s29], $0x1  }
0xb7: {  	[sflag:s29] =	ssyncadd.s32 $0xFFFFFFFF  }
0xb8: {  	_ =	strace $0x90000048  }
0xb9: {  	_ =	sfence  }
0xba: {  	s30 =	sld [smem:$0x0];
	_ =	sdelay $0x2  }
0xbb: {  	s31 =	sshll.u32 s1, $0xD;
	s1 =	sshrl.u32 s1, $0x2  }
0xbc: {  	s3 =	sand.u32 $0x4000, s31;
	s1 =	sadd.s32 s1, s30  }
0xbd: {  	s0 =	sor.u32 s3, s0;
	s1 =	sshll.u32 s1, $0x11  }
0xbe: {  	s0 =	sor.u32 s1, s0  }
0xbf: {  	s0 =	sadd.s32 $0x8F2B, s0  }
0xc0: {  	[sflag:s0] =	ssyncadd.remote.s32 $0x1  }
0xc1: {  	_ =	sfence.sel $0xFFFF  }
0xc2: {  	[dreg:$0x0] =	wrdreg $0xFFFFFFFF;
	(pc) =	sbr.abs _section_cstart, $3  }
0xc3: {  	[dreg:$0x1] =	wrdreg $0xFFFFFFFF  }
0xc4: {  	_ =	task.clear_ibuf [dreg:s9], $0x2FFFF;
	_ =	strace $0x9FFFFFFF  }
0xc5: {  	(tm) =	ssettm $0x7FFFFFFF  }
tec
execute0_lowered:
.L_overlay_start_1:
0x0: {  	(tag) =	ssettag $0x1  }
0x1: {  	v0 =	vimm.s32 $0x3780;
	vm0 =	vcmask $0x300;
	v1 =	vimm.s32 $0x3783  }
0x2: {  	vm1 =	vcmask $0x704;
	v0 =	vsel vm0, $0x0, v0;
	v1 =	vsel vm0, $0x3, v1  }
0x3: {  	s0 =	rddreg [dreg:$0x0];
	vm15 =	vcmask $0xB08;
	v0 =	vsel vm1, $0x80, v0;
	v1 =	vsel vm1, $0x83, v1  }
0x4: {  	s1 =	rddreg [dreg:$0x1];
	vm4 =	vcmask $0xF0C;
	v0 =	vsel vm15, $0x100, v0;
	v1 =	vsel vm15, $0x103, v1  }
0x5: {  	s3 =	rddreg [dreg:$0x2];
	vm5 =	vcmask $0x1310;
	v0 =	vsel vm4, $0x180, v0;
	v1 =	vsel vm4, $0x183, v1  }
0x6: {  	s2 =	rddreg [dreg:$0x3];
	vm6 =	vcmask $0x1714;
	v0 =	vsel vm5, $0x200, v0;
	v1 =	vsel vm5, $0x203, v1  }
0x7: {  	s6 =	srdreg.scid;
	s4 =	stileid.u32;
	vm7 =	vcmask $0x1B18;
	v0 =	vsel vm6, $0x280, v0;
	v1 =	vsel vm6, $0x283, v1  }
0x8: {  	s5 =	simm.s32 $0x0;
	vm8 =	vcmask $0x1F1C;
	s12 =	simm.s32 $0x3400;
	s13 =	simm.s32 $0x1;
	v0 =	vsel vm7, $0x300, v0;
	v1 =	vsel vm7, $0x303, v1  }
0x9: {  	vm9 =	vcmask $0x2320;
	s14 =	simm.s32 $0xD000;
	s15 =	simm.s32 $0x4;
	s16 =	simm.s32 $0x2;
	v0 =	vsel vm8, $0x380, v0;
	v1 =	vsel vm8, $0x383, v1  }
0xa: {  	vm10 =	vcmask $0x2724;
	s17 =	simm.s32 $0x6800;
	s18 =	simm.s32 $0x3;
	s19 =	simm.s32 $0x0;
	v0 =	vsel vm9, $0x3400, v0;
	v1 =	vsel vm9, $0x3403, v1  }
0xb: {  	vm11 =	vcmask $0x2B28;
	s7 =	sand.u32 $0x1, s6;
	s31 =	sshll.u32 s4, $0x1;
	[smem:$0x7FF] =	sst s5;
	v0 =	vsel vm10, $0x3480, v0;
	v1 =	vsel vm10, $0x3483, v1  }
.Ltmp0:
0xc: {  	vm12 =	vcmask $0x2F2C;
	s6 =	sor.u32 s7, s31;
	s8 =	ssub.s32 $0x2, s7;
	v0 =	vsel vm11, $0x3500, v0;
	v1 =	vsel vm11, $0x3503, v1;
	(pc) =	sbr.rel .LBB2_1-.Ltmp0, $4  }
0xd: {  	vm13 =	vcmask $0x3330;
	_ =	strace $0x80000047;
	s9 =	smul.u32 $0x600, s6;
	s10 =	sshrl.u32 s8, $0x1;
	v0 =	vsel vm12, $0x3580, v0;
	v1 =	vsel vm12, $0x3583, v1  }
0xe: {  	vm14 =	vcmask $0x3734;
	s7 =	simm.s32 $0x15;
	p0 =	slt.u32 s6, $0xB;
	s10 =	ssub.s32 s8, s10;
	v0 =	vsel vm13, $0x3600, v0;
	v1 =	vsel vm13, $0x3603, v1  }
0xf: {  	vm15 =	vcmask $0x3B38;
	s7 =	simm.s32 @!p0 $0x14;
	p0 =	sne.s32 s6, $0x0;
	s8 =	sadd.s32 s0, s9;
	v0 =	vsel vm14, $0x3680, v0;
	v1 =	vsel vm14, $0x3683, v1  }
0x10: {  	s9 =	sadd.s32 $0x1E8400, s3;
	s10 =	smax.u32 s10, $0x1;
	s11 =	sadd.s32 $0xF4280, s8;
	v0 =	vsel vm15, $0x3700, v0;
	v1 =	vsel vm15, $0x3703, v1  }
.LBB2_10:
0x11: {  	s20 =	sshll.u32 @!p0 s4, $0x6;
	s19 =	sadd.s32 $0x1, s19  }
0x12: {  	s20 =	sor.u32 @!p0 $0x1C03, s20;
	p1 =	sne.s32 s19, s10  }
0x13: {  	[hbm:s9], [sflag:s20] =	dma.local @!p0 [hbm:s1], $0x80  }
.Ltmp1:
0x14: {  	_ = 	snop;
	(pc) =	sbr.rel @!p1 .LBB2_11-.Ltmp1, $4  }
0x15: {  	s20 =	simm.s32 @!p0 $0x3  }
0x16: {  	_ =	swait.ge @!p0 [sflag:s20], $0x80  }
0x17: {  	[sflag:s20] =	ssyncset.done @!p0 $0x0  }
0x18: {  	[sflag:s20] =	ssyncadd.s32 @!p0 $0xFFFFFF80  }
.LBB2_1:
.Ltmp2:
0x19: {  	(pc) =	sbr.rel .LBB2_2-.Ltmp2, $4  }
0x1a: {  	_ = 	snop  }
0x1b: {  	[tilespmem:s5], [sflag:$0x1] =	stream.linear.gather [hbm4b:s8+s5], $0x3000, $0x38;
	[tilespmem:$0x13000] =	vst v63  }
0x1c: {  	s20 =	simm.s32 $0x0  }
0x1d: {  	[tilespmem:s12], [sflag:$0x1] =	stream.linear.gather [hbm4b:s11+s5], $0x3000, $0x38;
	[tilespmem:$0x13000] =	vst v63  }
.LBB2_9:
0x1e: {  	s20 =	sadd.s32 $0x1, s20  }
0x1f: {  	p1 =	sne.s32 s20, $0xB  }
.Ltmp3:
0x20: {  	_ = 	snop;
	(pc) =	sbr.rel @!p1 .LBB2_10-.Ltmp3, $1  }
0x21: {  	_ =	sdelay $0x3  }
.LBB2_2:
0x22: {  	s22 =	sshll.u32 s20, $0x1  }
0x23: {  	p1 =	sge.u32 s22, s7  }
.Ltmp4:
0x24: {  	_ = 	snop;
	(pc) =	sbr.rel @p1 .LBB2_9-.Ltmp4, $1  }
0x25: {  	_ =	sdelay $0x3  }
0x26: {  	s21 =	sshllo.u32 s20, $0x1  }
0x27: {  	p1 =	sge.u32 s21, s7  }
0x28: {  	s23 =	sshll.u32 @!p1 s21, $0x5  }
0x29: {  	s24 =	simm.s32 $0x0;
	s23 =	sor.u32 @!p1 s6, s23  }
0x2a: {  	v2 =	vmov s24;
	s23 =	smul.u32 @!p1 $0x600, s23  }
0x2b: {  	v3 =	vshll.u32 v2, $0x3  }
0x2c: {  	s24 =	simm.s32 @!p1 $0x0;
	s25 =	simm.s32 @!p1 $0x6800;
	v2 =	vand.u32 $0x78, v2;
	v3 =	vand.u32 $0x3C00, v3;
	s23 =	sadd.s32 @!p1 s0, s23  }
0x2d: {  	v2 =	vor.u32 v2, v3;
	[tilespmem:s25], [sflag:$0x2] =	stream.linear.gather @!p1 [hbm4b:s23+s24], $0x3000, $0x38;
	[tilespmem:$0x13000] =	vst v63  }
0x2e: {  	v4 =	vadd.s32 v0, v2;
	s23 =	sadd.s32 @!p1 $0xF4280, s23;
	s25 =	simm.s32 @!p1 $0x9C00  }
0x2f: {  	[tilespmem:s25], [sflag:$0x2] =	stream.linear.gather @!p1 [hbm4b:s23+s24], $0x3000, $0x38;
	[tilespmem:$0x13000] =	vst v63  }
0x30: {  	_ =	swait.ge [sflag:s13], $0x6000  }
0x31: {  	[sflag:s13] =	ssyncset.done $0x0  }
0x32: {  	[sflag:s13] =	ssyncadd.s32 $0xFFFFA000  }
0x33: {  	v3 =	vld.idx.msk [tilespmem:v4+s5+$0x0], $0xffff  }
0x34: {  	v5 =	vor.u32 $0x1, v4;
	_ =	sdelay $0x2  }
0x35: {  	s23 =	simm.s32 $0xD040  }
0x36: {  	[tilespmem:s23+$0xFFFFFFC0] =	vst v3  }
0x37: {  	v3 =	vld.idx.msk [tilespmem:v5+s5+$0x0], $0xffff  }
0x38: {  	v5 =	vor.u32 $0x2, v4;
	_ =	sdelay $0x3  }
0x39: {  	[tilespmem:s23+$0xFFFFFFD0] =	vst v3  }
0x3a: {  	v3 =	vld.idx.msk [tilespmem:v5+s5+$0x0], $0xffff  }
0x3b: {  	v2 =	vadd.s32 v1, v2;
	_ =	sdelay $0x3  }
0x3c: {  	[tilespmem:s23+$0xFFFFFFE0] =	vst v3  }
0x3d: {  	v2 =	vld.idx.msk [tilespmem:v2+s5+$0x0], $0xffff  }
0x3e: {  	v3 =	vor.u32 $0x4, v4;
	_ =	sdelay $0x3  }
0x3f: {  	[tilespmem:s23+$0xFFFFFFF0] =	vst v2  }
0x40: {  	v2 =	vld.idx.msk [tilespmem:v3+s5+$0x0], $0xffff  }
0x41: {  	v3 =	vor.u32 $0x5, v4;
	_ =	sdelay $0x3  }
0x42: {  	[tilespmem:s23+$0x0] =	vst v2  }
0x43: {  	v2 =	vld.idx.msk [tilespmem:v3+s5+$0x0], $0xffff  }
0x44: {  	v3 =	vor.u32 $0x6, v4;
	_ =	sdelay $0x3  }
0x45: {  	[tilespmem:s23+$0x10] =	vst v2  }
0x46: {  	v3 =	vld.idx.msk [tilespmem:v3+s5+$0x0], $0xffff  }
0x47: {  	v2 =	vor.u32 $0x7, v4;
	_ =	sdelay $0x1  }
0x48: {  	s31 =	simm.s32 $0x8  }
0x49: {  	s24 =	simm.s32 $0x10;
	v4 =	vmov s31  }
.LBB2_4:
0x4a: {  	p2 =	sne.s32 s24, $0x5F8;
	v5 =	vshll.u32 v4, $0x3;
	[tilespmem:s23+$0x20] =	vst v3  }
0x4b: {  	v3 =	vand.u32 $0x78, v4;
	v4 =	vand.u32 $0x3C00, v5;
	v2 =	vld.idx.msk [tilespmem:v2+s5+$0x0], $0xffff  }
0x4c: {  	v3 =	vor.u32 v3, v4  }
0x4d: {  	v4 =	vadd.s32 v0, v3;
	_ =	sdelay $0x3  }
0x4e: {  	[tilespmem:s23+$0x30] =	vst v2  }
0x4f: {  	v2 =	vld.idx.msk [tilespmem:v4+s5+$0x0], $0xffff;
	_ =	sdelay $0x1  }
0x50: {  	v5 =	vor.u32 $0x1, v4;
	_ =	sdelay $0x2  }
0x51: {  	s23 =	sadd.s32 $0x80, s23  }
0x52: {  	[tilespmem:s23+$0xFFFFFFC0] =	vst v2  }
0x53: {  	v2 =	vld.idx.msk [tilespmem:v5+s5+$0x0], $0xffff;
	_ =	sdelay $0x1  }
0x54: {  	v5 =	vor.u32 $0x2, v4;
	_ =	sdelay $0x3  }
0x55: {  	[tilespmem:s23+$0xFFFFFFD0] =	vst v2  }
0x56: {  	v2 =	vld.idx.msk [tilespmem:v5+s5+$0x0], $0xffff;
	_ =	sdelay $0x1  }
0x57: {  	v3 =	vadd.s32 v1, v3;
	_ =	sdelay $0x3  }
0x58: {  	[tilespmem:s23+$0xFFFFFFE0] =	vst v2  }
0x59: {  	v2 =	vld.idx.msk [tilespmem:v3+s5+$0x0], $0xffff;
	_ =	sdelay $0x1  }
0x5a: {  	v3 =	vor.u32 $0x4, v4;
	_ =	sdelay $0x3  }
0x5b: {  	[tilespmem:s23+$0xFFFFFFF0] =	vst v2  }
0x5c: {  	v2 =	vld.idx.msk [tilespmem:v3+s5+$0x0], $0xffff;
	_ =	sdelay $0x1  }
0x5d: {  	v3 =	vor.u32 $0x5, v4;
	_ =	sdelay $0x3  }
0x5e: {  	[tilespmem:s23+$0x0] =	vst v2  }
0x5f: {  	v2 =	vld.idx.msk [tilespmem:v3+s5+$0x0], $0xffff;
	_ =	sdelay $0x1  }
0x60: {  	v3 =	vor.u32 $0x6, v4;
	_ =	sdelay $0x3  }
0x61: {  	[tilespmem:s23+$0x10] =	vst v2  }
0x62: {  	v3 =	vld.idx.msk [tilespmem:v3+s5+$0x0], $0xffff  }
.Ltmp5:
0x63: {  	(pc) =	sbr.rel @p2 .LBB2_4-.Ltmp5, $2  }
0x64: {  	v2 =	vor.u32 $0x7, v4;
	_ =	sdelay $0x2  }
0x65: {  	v4 =	vmov s24;
	s24 =	sadd.s32 $0x8, s24  }
0x66: {  	_ =	sdelay $0x1  }
0x67: {  	v5 =	vshll.u32 v4, $0x3  }
0x68: {  	[tilespmem:s23+$0x20] =	vst v3;
	v3 =	vand.u32 $0x78, v4;
	v61 =	vand.u32 $0x3C00, v5  }
0x69: {  	v2 =	vld.idx.msk [tilespmem:v2+s5+$0x0], $0xffff;
	v3 =	vor.u32 v3, v61  }
0x6a: {  	v4 =	vadd.s32 v0, v3;
	_ =	sdelay $0x3  }
0x6b: {  	[tilespmem:s23+$0x30] =	vst v2  }
0x6c: {  	v2 =	vld.idx.msk [tilespmem:v4+s5+$0x0], $0xffff  }
0x6d: {  	v62 =	vor.u32 $0x1, v4;
	_ =	sdelay $0x2  }
0x6e: {  	s30 =	sadd.s32 $0x80, s23  }
0x6f: {  	[tilespmem:s30+$0xFFFFFFC0] =	vst v2  }
0x70: {  	v2 =	vld.idx.msk [tilespmem:v62+s5+$0x0], $0xffff  }
0x71: {  	v63 =	vor.u32 $0x2, v4;
	_ =	sdelay $0x3  }
0x72: {  	[tilespmem:s30+$0xFFFFFFD0] =	vst v2  }
0x73: {  	v2 =	vld.idx.msk [tilespmem:v63+s5+$0x0], $0xffff  }
0x74: {  	v3 =	vadd.s32 v1, v3;
	_ =	sdelay $0x3  }
0x75: {  	[tilespmem:s30+$0xFFFFFFE0] =	vst v2  }
0x76: {  	v2 =	vld.idx.msk [tilespmem:v3+s5+$0x0], $0xffff  }
0x77: {  	v3 =	vor.u32 $0x4, v4;
	_ =	sdelay $0x3  }
0x78: {  	[tilespmem:s30+$0xFFFFFFF0] =	vst v2  }
0x79: {  	v2 =	vld.idx.msk [tilespmem:v3+s5+$0x0], $0xffff  }
0x7a: {  	v3 =	vor.u32 $0x5, v4;
	_ =	sdelay $0x3  }
0x7b: {  	[tilespmem:s30+$0x0] =	vst v2  }
0x7c: {  	v2 =	vld.idx.msk [tilespmem:v3+s5+$0x0], $0xffff  }
0x7d: {  	v3 =	vor.u32 $0x6, v4;
	_ =	sdelay $0x3  }
0x7e: {  	[tilespmem:s30+$0x10] =	vst v2  }
0x7f: {  	v2 =	vld.idx.msk [tilespmem:v3+s5+$0x0], $0xffff  }
0x80: {  	v3 =	vor.u32 $0x7, v4;
	_ =	sdelay $0x3  }
0x81: {  	[tilespmem:s30+$0x20] =	vst v2  }
0x82: {  	v2 =	vld.idx.msk [tilespmem:v3+s5+$0x0], $0xffff  }
0x83: {  	s24 =	sshll.u32 s20, $0x6  }
0x84: {  	s24 =	sor.u32 s6, s24  }
0x85: {  	s24 =	smul.u32 $0xC00, s24;
	_ =	sdelay $0x1  }
.Ltmp6:
0x86: {  	s31 =	sadd.s32 s3, s24;
	[tilespmem:s30+$0x30] =	vst v2;
	(pc) =	sbr.rel @p1 .LBB2_9-.Ltmp6, $4  }
0x87: {  	[hbm4b:s31+s5] =	stream.linear.scatter [tilespmem:s14], [sflag:$0x4], $0x6000, $0x38;
	[tilespmem:$0x13000] =	vst v63  }
0x88: {  	_ =	swait.ge [sflag:s15], $0x6000  }
0x89: {  	[sflag:s15] =	ssyncset.done $0x0  }
0x8a: {  	[sflag:s15] =	ssyncadd.s32 $0xFFFFA000  }
0x8b: {  	s22 =	sadd.s32 $0x2, s22  }
0x8c: {  	p1 =	sge.u32 s22, s7  }
0x8d: {  	s22 =	sshll.u32 @!p1 s22, $0x5  }
0x8e: {  	s23 =	simm.s32 $0x0;
	s22 =	sor.u32 @!p1 s6, s22  }
0x8f: {  	v2 =	vmov s23;
	s22 =	smul.u32 @!p1 $0x600, s22  }
0x90: {  	v3 =	vshll.u32 v2, $0x3  }
0x91: {  	s23 =	simm.s32 @!p1 $0x0;
	v2 =	vand.u32 $0x78, v2;
	v3 =	vand.u32 $0x3C00, v3;
	s22 =	sadd.s32 @!p1 s0, s22  }
0x92: {  	v2 =	vor.u32 v2, v3;
	[tilespmem:s23], [sflag:$0x1] =	stream.linear.gather @!p1 [hbm4b:s22+s23], $0x3000, $0x38;
	[tilespmem:$0x13000] =	vst v63  }
0x93: {  	s24 =	simm.s32 @!p1 $0x3400;
	v4 =	vadd.s32 v0, v2;
	s22 =	sadd.s32 @!p1 $0xF4280, s22  }
0x94: {  	[tilespmem:s24], [sflag:$0x1] =	stream.linear.gather @!p1 [hbm4b:s22+s23], $0x3000, $0x38;
	[tilespmem:$0x13000] =	vst v63  }
0x95: {  	_ =	swait.ge [sflag:s16], $0x6000  }
0x96: {  	[sflag:s16] =	ssyncset.done $0x0  }
0x97: {  	[sflag:s16] =	ssyncadd.s32 $0xFFFFA000  }
0x98: {  	v3 =	vld.idx.msk [tilespmem:v4+s17+$0x0], $0xffff  }
0x99: {  	v5 =	vor.u32 $0x1, v4;
	_ =	sdelay $0x2  }
0x9a: {  	s22 =	simm.s32 $0xD040  }
0x9b: {  	[tilespmem:s22+$0xFFFFFFC0] =	vst v3  }
0x9c: {  	v3 =	vld.idx.msk [tilespmem:v5+s17+$0x0], $0xffff  }
0x9d: {  	v5 =	vor.u32 $0x2, v4;
	_ =	sdelay $0x3  }
0x9e: {  	[tilespmem:s22+$0xFFFFFFD0] =	vst v3  }
0x9f: {  	v3 =	vld.idx.msk [tilespmem:v5+s17+$0x0], $0xffff  }
0xa0: {  	v2 =	vadd.s32 v1, v2;
	_ =	sdelay $0x3  }
0xa1: {  	[tilespmem:s22+$0xFFFFFFE0] =	vst v3  }
0xa2: {  	v2 =	vld.idx.msk [tilespmem:v2+s17+$0x0], $0xffff  }
0xa3: {  	v3 =	vor.u32 $0x4, v4;
	_ =	sdelay $0x3  }
0xa4: {  	[tilespmem:s22+$0xFFFFFFF0] =	vst v2  }
0xa5: {  	v2 =	vld.idx.msk [tilespmem:v3+s17+$0x0], $0xffff  }
0xa6: {  	v3 =	vor.u32 $0x5, v4;
	_ =	sdelay $0x3  }
0xa7: {  	[tilespmem:s22+$0x0] =	vst v2  }
0xa8: {  	v2 =	vld.idx.msk [tilespmem:v3+s17+$0x0], $0xffff  }
0xa9: {  	v3 =	vor.u32 $0x6, v4;
	_ =	sdelay $0x3  }
0xaa: {  	[tilespmem:s22+$0x10] =	vst v2  }
0xab: {  	v3 =	vld.idx.msk [tilespmem:v3+s17+$0x0], $0xffff  }
0xac: {  	v2 =	vor.u32 $0x7, v4;
	_ =	sdelay $0x1  }
0xad: {  	s31 =	simm.s32 $0x8  }
0xae: {  	s23 =	simm.s32 $0x10;
	v4 =	vmov s31  }
.LBB2_7:
0xaf: {  	p1 =	sne.s32 s23, $0x5F8;
	v5 =	vshll.u32 v4, $0x3;
	[tilespmem:s22+$0x20] =	vst v3  }
0xb0: {  	v3 =	vand.u32 $0x78, v4;
	v4 =	vand.u32 $0x3C00, v5;
	v2 =	vld.idx.msk [tilespmem:v2+s17+$0x0], $0xffff  }
0xb1: {  	v3 =	vor.u32 v3, v4  }
0xb2: {  	v4 =	vadd.s32 v0, v3;
	_ =	sdelay $0x3  }
0xb3: {  	[tilespmem:s22+$0x30] =	vst v2  }
0xb4: {  	v2 =	vld.idx.msk [tilespmem:v4+s17+$0x0], $0xffff;
	_ =	sdelay $0x1  }
0xb5: {  	v5 =	vor.u32 $0x1, v4;
	_ =	sdelay $0x2  }
0xb6: {  	s22 =	sadd.s32 $0x80, s22  }
0xb7: {  	[tilespmem:s22+$0xFFFFFFC0] =	vst v2  }
0xb8: {  	v2 =	vld.idx.msk [tilespmem:v5+s17+$0x0], $0xffff;
	_ =	sdelay $0x1  }
0xb9: {  	v5 =	vor.u32 $0x2, v4;
	_ =	sdelay $0x3  }
0xba: {  	[tilespmem:s22+$0xFFFFFFD0] =	vst v2  }
0xbb: {  	v2 =	vld.idx.msk [tilespmem:v5+s17+$0x0], $0xffff;
	_ =	sdelay $0x1  }
0xbc: {  	v3 =	vadd.s32 v1, v3;
	_ =	sdelay $0x3  }
0xbd: {  	[tilespmem:s22+$0xFFFFFFE0] =	vst v2  }
0xbe: {  	v2 =	vld.idx.msk [tilespmem:v3+s17+$0x0], $0xffff;
	_ =	sdelay $0x1  }
0xbf: {  	v3 =	vor.u32 $0x4, v4;
	_ =	sdelay $0x3  }
0xc0: {  	[tilespmem:s22+$0xFFFFFFF0] =	vst v2  }
0xc1: {  	v2 =	vld.idx.msk [tilespmem:v3+s17+$0x0], $0xffff;
	_ =	sdelay $0x1  }
0xc2: {  	v3 =	vor.u32 $0x5, v4;
	_ =	sdelay $0x3  }
0xc3: {  	[tilespmem:s22+$0x0] =	vst v2  }
0xc4: {  	v2 =	vld.idx.msk [tilespmem:v3+s17+$0x0], $0xffff;
	_ =	sdelay $0x1  }
0xc5: {  	v3 =	vor.u32 $0x6, v4;
	_ =	sdelay $0x3  }
0xc6: {  	[tilespmem:s22+$0x10] =	vst v2  }
0xc7: {  	v3 =	vld.idx.msk [tilespmem:v3+s17+$0x0], $0xffff  }
.Ltmp7:
0xc8: {  	(pc) =	sbr.rel @p1 .LBB2_7-.Ltmp7, $2  }
0xc9: {  	v2 =	vor.u32 $0x7, v4;
	_ =	sdelay $0x2  }
0xca: {  	v4 =	vmov s23;
	s23 =	sadd.s32 $0x8, s23  }
0xcb: {  	_ =	sdelay $0x1  }
0xcc: {  	v5 =	vshll.u32 v4, $0x3  }
0xcd: {  	[tilespmem:s22+$0x20] =	vst v3;
	v3 =	vand.u32 $0x78, v4;
	v61 =	vand.u32 $0x3C00, v5  }
0xce: {  	v2 =	vld.idx.msk [tilespmem:v2+s17+$0x0], $0xffff;
	v3 =	vor.u32 v3, v61  }
0xcf: {  	v4 =	vadd.s32 v0, v3;
	_ =	sdelay $0x3  }
0xd0: {  	[tilespmem:s22+$0x30] =	vst v2  }
0xd1: {  	v2 =	vld.idx.msk [tilespmem:v4+s17+$0x0], $0xffff  }
0xd2: {  	v62 =	vor.u32 $0x1, v4;
	_ =	sdelay $0x2  }
0xd3: {  	s31 =	sadd.s32 $0x80, s22  }
0xd4: {  	[tilespmem:s31+$0xFFFFFFC0] =	vst v2  }
0xd5: {  	v2 =	vld.idx.msk [tilespmem:v62+s17+$0x0], $0xffff  }
0xd6: {  	v63 =	vor.u32 $0x2, v4;
	_ =	sdelay $0x3  }
0xd7: {  	[tilespmem:s31+$0xFFFFFFD0] =	vst v2  }
0xd8: {  	v2 =	vld.idx.msk [tilespmem:v63+s17+$0x0], $0xffff  }
0xd9: {  	v3 =	vadd.s32 v1, v3;
	_ =	sdelay $0x3  }
0xda: {  	[tilespmem:s31+$0xFFFFFFE0] =	vst v2  }
0xdb: {  	v2 =	vld.idx.msk [tilespmem:v3+s17+$0x0], $0xffff  }
0xdc: {  	v3 =	vor.u32 $0x4, v4;
	_ =	sdelay $0x3  }
0xdd: {  	[tilespmem:s31+$0xFFFFFFF0] =	vst v2  }
0xde: {  	v2 =	vld.idx.msk [tilespmem:v3+s17+$0x0], $0xffff  }
0xdf: {  	v3 =	vor.u32 $0x5, v4;
	_ =	sdelay $0x3  }
0xe0: {  	[tilespmem:s31+$0x0] =	vst v2  }
0xe1: {  	v2 =	vld.idx.msk [tilespmem:v3+s17+$0x0], $0xffff  }
0xe2: {  	v3 =	vor.u32 $0x6, v4;
	_ =	sdelay $0x3  }
0xe3: {  	[tilespmem:s31+$0x10] =	vst v2  }
0xe4: {  	v2 =	vld.idx.msk [tilespmem:v3+s17+$0x0], $0xffff  }
0xe5: {  	v3 =	vor.u32 $0x7, v4;
	_ =	sdelay $0x3  }
0xe6: {  	[tilespmem:s31+$0x20] =	vst v2  }
0xe7: {  	v2 =	vld.idx.msk [tilespmem:v3+s17+$0x0], $0xffff  }
0xe8: {  	s21 =	sshll.u32 s21, $0x5  }
0xe9: {  	s21 =	sor.u32 s6, s21  }
0xea: {  	s21 =	smul.u32 $0xC00, s21;
	_ =	sdelay $0x1  }
.Ltmp8:
0xeb: {  	s21 =	sadd.s32 s3, s21;
	[tilespmem:s31+$0x30] =	vst v2;
	(pc) =	sbr.rel .LBB2_9-.Ltmp8, $4  }
0xec: {  	[hbm4b:s21+s5] =	stream.linear.scatter [tilespmem:s14], [sflag:$0x3], $0x6000, $0x38;
	[tilespmem:$0x13000] =	vst v63  }
0xed: {  	_ =	swait.ge [sflag:s18], $0x6000  }
0xee: {  	[sflag:s18] =	ssyncset.done $0x0  }
0xef: {  	[sflag:s18] =	ssyncadd.s32 $0xFFFFA000  }
.LBB2_11:
0xf0: {  	_ =	sfence.sel $0x180000  }
0xf1: {  	[bflag:$0x0] =	sbarrier.arrive $0xFFFF  }
0xf2: {  	p0 =	sne.s32 s4, $0x0;
	_ =	strace $0x90000047  }
0xf3: {  	s0 =	sadd.s32 @!p0 $0x100000, s2;
	[bflag:$0x2] =	sbarrier.arrive $0xFFFF  }
0xf4: {  	[sflag:s0] =	ssyncadd.tile.s32 @!p0 $0x1;
	_ =	shalt  }
.Lfunc_end2:
_tile_overlayer_lowered:
.L_overlay_start_2:
0xf5: {  	(tag) =	ssettag $0x2  }
0xf6: {  	s0 =	rddreg [dreg:$0x0];
	s2 =	stileid.u32  }
0xf7: {  	s1 =	rddreg [dreg:$0x1];
	p0 =	sne.s32 s2, $0x0  }
0xf8: {  	s3 =	rddreg [dreg:$0x2];
	[bflag:$0x3] =	sbarrier.arrive $0xFFFF;
	s2 =	simm.s32 @!p0 $0x1C03  }
0xf9: {  	[timem:s3], [sflag:s2] =	dma.local @!p0 [hbm:s0], s1  }
0xfa: {  	s0 =	simm.s32 @!p0 $0x3  }
0xfb: {  	_ =	swait.ge @!p0 [sflag:s0], s1  }
0xfc: {  	s1 =	ssub.s32 @!p0 $0x0, s1;
	[sflag:s0] =	ssyncset.done @!p0 $0x0  }
0xfd: {  	[sflag:s0] =	ssyncadd.s32 @!p0 s1  }
0xfe: {  	[bflag:$0x3] =	sbarrier.arrive $0xFFFF  }
0xff: {  	_ =	shalt  }

</sc_bundles>
